<compile_context>
chip_gen: v7x
topology: tpu7x:2x2x1
jax: 0.10.2.dev20260603
libtpu: 0.0.44.dev20260713+nightly
codegen_flags: <defaults>
</compile_context>

<pallas_src>
import functools

import jax
import jax.numpy as jnp
from jax import lax
from jax.experimental import pallas as pl
from jax.experimental.pallas import tpu as pltpu
from jax.experimental.pallas import tpu_sc as plsc

NN = 10000
EE = 320000
FD = 128
BD = 42
NC, NS, LN = 2, 16, 16
NW = NC * NS
NP = 10240
EP = 327680
EW = EP // NW
CH = 128
NCHUNK = EW // CH
RPT = NP // NS
DUMMY = NN

_mesh = plsc.VectorSubcoreMesh(
    core_axis_name="c", subcore_axis_name="s", num_cores=NC, num_subcores=NS)


def _wid(cid, sid):
    return sid * NC + cid


@functools.partial(
    pl.kernel, mesh=_mesh,
    out_type=jax.ShapeDtypeStruct((NC, 2, NP, LN), jnp.float32),
    scratch_types=[
        pltpu.VMEM((CH,), jnp.int32),
        pltpu.VMEM((CH,), jnp.int32),
        pltpu.VMEM((CH, LN), jnp.float32),
        pltpu.VMEM_SHARED((NP, LN), jnp.float32),
        pltpu.VMEM_SHARED((NP, LN), jnp.float32),
    ],
)
def _sc_hist(srcp, dstp, onesr, z16, out, sidx, didx, onesv, accS, accD):
    cid = lax.axis_index("c")
    sid = lax.axis_index("s")
    wid = _wid(cid, sid)
    r0 = sid * RPT
    pltpu.sync_copy(onesr, onesv)
    pltpu.sync_copy(z16.at[pl.ds(r0, RPT)], accS.at[pl.ds(r0, RPT)])
    pltpu.sync_copy(z16.at[pl.ds(r0, RPT)], accD.at[pl.ds(r0, RPT)])
    plsc.subcore_barrier()

    base = wid * EW

    def step(c, _):
        off = base + c * CH
        pltpu.sync_copy(srcp.at[pl.ds(off, CH)], sidx)
        pltpu.sync_copy(dstp.at[pl.ds(off, CH)], didx)
        pltpu.sync_copy(onesv, accS.at[sidx], add=True)
        pltpu.sync_copy(onesv, accD.at[didx], add=True)
        return _
    lax.fori_loop(0, NCHUNK, step, 0)

    plsc.subcore_barrier()
    pltpu.sync_copy(accS.at[pl.ds(r0, RPT)], out.at[cid, 0, pl.ds(r0, RPT)])
    pltpu.sync_copy(accD.at[pl.ds(r0, RPT)], out.at[cid, 1, pl.ds(r0, RPT)])


@functools.partial(
    pl.kernel, mesh=_mesh,
    out_type=(jax.ShapeDtypeStruct((NC, NP, FD), jnp.float32),
              jax.ShapeDtypeStruct((EP, FD), jnp.float32),
              jax.ShapeDtypeStruct((EP, FD), jnp.float32)),
    scratch_types=[
        pltpu.VMEM((CH,), jnp.int32),
        pltpu.VMEM((CH,), jnp.int32),
        pltpu.VMEM((CH, FD), jnp.float32),
        pltpu.VMEM((CH, FD), jnp.float32),
        pltpu.VMEM_SHARED((NP, FD), jnp.float32),
        pltpu.SemaphoreType.DMA,
    ],
)
def _sc_main(g1, qarr, kvarr, srcp, dstp, zrows,
             s1out, qgout, kvgout,
             sidx, didx, grows, gbuf, acc, sem):
    cid = lax.axis_index("c")
    sid = lax.axis_index("s")
    wid = _wid(cid, sid)
    r0 = sid * RPT
    pltpu.sync_copy(zrows.at[pl.ds(r0, RPT)], acc.at[pl.ds(r0, RPT)])
    plsc.subcore_barrier()

    base = wid * EW

    def step(c, _):
        off = base + c * CH
        pltpu.sync_copy(srcp.at[pl.ds(off, CH)], sidx)
        pltpu.sync_copy(dstp.at[pl.ds(off, CH)], didx)
        c1 = pltpu.async_copy(g1.at[sidx], grows, sem)
        c2 = pltpu.async_copy(qarr.at[didx], gbuf, sem)
        c2.wait()
        pltpu.sync_copy(gbuf, qgout.at[pl.ds(off, CH)])
        c3 = pltpu.async_copy(kvarr.at[sidx], gbuf, sem)
        c3.wait()
        pltpu.sync_copy(gbuf, kvgout.at[pl.ds(off, CH)])
        c1.wait()
        pltpu.sync_copy(grows, acc.at[didx], add=True)
        return _
    lax.fori_loop(0, NCHUNK, step, 0)

    plsc.subcore_barrier()
    pltpu.sync_copy(acc.at[pl.ds(r0, RPT)], s1out.at[cid, pl.ds(r0, RPT)])


@functools.partial(
    pl.kernel, mesh=_mesh,
    out_type=jax.ShapeDtypeStruct((NC, NP, FD), jnp.float32),
    scratch_types=[
        pltpu.VMEM((CH,), jnp.int32),
        pltpu.VMEM((CH,), jnp.int32),
        pltpu.VMEM((CH, FD), jnp.float32),
        pltpu.VMEM_SHARED((NP, FD), jnp.float32),
        pltpu.SemaphoreType.DMA,
    ],
)
def _sc_p3a(h2arr, srcp, dstp, zrows, outA, sidx, didx, hrows, accA, sem):
    cid = lax.axis_index("c")
    sid = lax.axis_index("s")
    wid = _wid(cid, sid)
    r0 = sid * RPT
    pltpu.sync_copy(zrows.at[pl.ds(r0, RPT)], accA.at[pl.ds(r0, RPT)])
    plsc.subcore_barrier()

    base = wid * EW

    def step(c, _):
        off = base + c * CH
        pltpu.sync_copy(srcp.at[pl.ds(off, CH)], sidx)
        pltpu.sync_copy(dstp.at[pl.ds(off, CH)], didx)
        pltpu.async_copy(h2arr.at[sidx], hrows, sem).wait()
        pltpu.sync_copy(hrows, accA.at[didx], add=True)
        return _
    lax.fori_loop(0, NCHUNK, step, 0)

    plsc.subcore_barrier()
    pltpu.sync_copy(accA.at[pl.ds(r0, RPT)], outA.at[cid, pl.ds(r0, RPT)])


@functools.partial(
    pl.kernel, mesh=_mesh,
    out_type=jax.ShapeDtypeStruct((NC, NP, FD), jnp.float32),
    scratch_types=[
        pltpu.VMEM((CH,), jnp.int32),
        pltpu.VMEM((CH, FD), jnp.float32),
        pltpu.VMEM_SHARED((NP, FD), jnp.float32),
    ],
)
def _sc_p3b(wmsg, dstp, zrows, outB, didx, mrows, accB):
    cid = lax.axis_index("c")
    sid = lax.axis_index("s")
    wid = _wid(cid, sid)
    r0 = sid * RPT
    pltpu.sync_copy(zrows.at[pl.ds(r0, RPT)], accB.at[pl.ds(r0, RPT)])
    plsc.subcore_barrier()

    base = wid * EW

    def step(c, _):
        off = base + c * CH
        pltpu.sync_copy(dstp.at[pl.ds(off, CH)], didx)
        pltpu.sync_copy(wmsg.at[pl.ds(off, CH)], mrows)
        pltpu.sync_copy(mrows, accB.at[didx], add=True)
        return _
    lax.fori_loop(0, NCHUNK, step, 0)

    plsc.subcore_barrier()
    pltpu.sync_copy(accB.at[pl.ds(r0, RPT)], outB.at[cid, pl.ds(r0, RPT)])


def _gelu_tc(v):
    return 0.5 * v * (1.0 + lax.erf(v * (2.0 ** -0.5)))


BLK = 256
GRID = NP // BLK
EBLK = 2048
EGRID = EP // EBLK


def _tc_const_body(z_ref, z16_ref, ones_ref):
    z_ref[...] = jnp.zeros((NP, FD), jnp.float32)
    z16_ref[...] = jnp.zeros((NP, LN), jnp.float32)
    ones_ref[...] = jnp.ones((CH, LN), jnp.float32)


def _tc_qkv_body(x_ref, wq_ref, bq_ref, wkv_ref, bkv_ref, q_ref, kv_ref):
    xb = x_ref[...]
    q_ref[...] = lax.dot_general(xb, wq_ref[...], (((1,), (0,)), ((), ())),
                                 preferred_element_type=jnp.float32) + bq_ref[...]
    kv_ref[...] = lax.dot_general(xb, wkv_ref[...], (((1,), (0,)), ((), ())),
                                  preferred_element_type=jnp.float32) + bkv_ref[...]


def _tc_g1_body(x_ref, hist_ref, wcat_ref, g1_ref):
    xb = x_ref[...]
    hp = hist_ref[...]
    deg = hp[0] + hp[2]
    dinv = jnp.where(deg > 0, deg ** -0.5, 0.0)
    u = lax.dot_general(xb, wcat_ref[...], (((1,), (0,)), ((), ())),
                        preferred_element_type=jnp.float32)
    col = lax.broadcasted_iota(jnp.int32, (BLK, FD), 1)
    scale = jnp.where((col >= BD) & (col < 3 * BD), dinv[:, None], 1.0)
    g1_ref[...] = u * scale


def _tc_edge_body(qg_ref, kvg_ref, w_ref):
    qg = qg_ref[...]
    kvg = kvg_ref[...]
    l = jnp.sum(qg * kvg, axis=1, keepdims=True)
    ew = jnp.exp(l)
    col = lax.broadcasted_iota(jnp.int32, (EBLK, FD), 1)
    vpart = jnp.concatenate(
        [kvg[:, 48:96], jnp.zeros((EBLK, 80), jnp.float32)], axis=1)
    w_ref[...] = ew * (vpart + (col == BD).astype(jnp.float32))


def _tc_h2_body(s1_ref, hist_ref, h2_ref):
    hp = hist_ref[...]
    deg = hp[0] + hp[2]
    dinv2 = jnp.where(deg > 0, 1.0 / deg, 0.0)
    s1 = s1_ref[0] + s1_ref[1]
    h2c = -dinv2[:, None] * s1[:, BD * 2:BD * 3]
    h2_ref[...] = jnp.concatenate(
        [h2c, jnp.zeros((BLK, FD - BD), jnp.float32)], axis=1)


def _tc_fin_body(x_ref, s1_ref, accA_ref, accB_ref, hist_ref, wm_ref,
                 bl_ref, bc_ref, bs_ref, wg_ref, bg_ref, gm_ref, bt_ref,
                 y_ref):
    xb = x_ref[...]
    hp = hist_ref[...]
    deg = hp[0] + hp[2]
    cnt = hp[1] + hp[3]
    dinv = jnp.where(deg > 0, deg ** -0.5, 0.0)
    s1 = s1_ref[0] + s1_ref[1]
    accA = accA_ref[0] + accA_ref[1]
    accB = accB_ref[0] + accB_ref[1]
    xm = lax.dot_general(xb, wm_ref[...], (((1,), (0,)), ((), ())),
                         preferred_element_type=jnp.float32)
    mean_t = s1[:, 0:BD] / jnp.maximum(cnt, 1.0)[:, None]
    xl = _gelu_tc(mean_t + bl_ref[...][:, 0:BD] + xm[:, 0:BD])
    t1 = -dinv[:, None] * s1[:, BD:2 * BD]
    lw = -dinv[:, None] * accA[:, 0:BD]
    xs = _gelu_tc(xm[:, 48:48 + BD] + t1 + 2.0 * lw - xm[:, 96:96 + BD]
                  + bc_ref[...][:, 0:BD])
    ssum = accB[:, BD]
    xa = accB[:, 0:BD] / (ssum + 1e-16)[:, None]
    xa = _gelu_tc(xa + xm[:, 144:144 + BD] + bs_ref[...][:, 0:BD])
    cat = jnp.concatenate([xl, xs, xa, jnp.zeros((BLK, 2), jnp.float32)],
                          axis=1)
    gate = jax.nn.sigmoid(
        lax.dot_general(cat, wg_ref[...], (((1,), (0,)), ((), ())),
                        preferred_element_type=jnp.float32) + bg_ref[...])
    out = gate * cat + xb
    mu = jnp.mean(out, axis=1, keepdims=True)
    var = jnp.mean((out - mu) ** 2, axis=1, keepdims=True)
    y = (out - mu) / jnp.sqrt(var + 1e-5) * gm_ref[...] + bt_ref[...]
    y_ref[...] = _gelu_tc(y)


def _row_spec(width, blk=BLK):
    return pl.BlockSpec((blk, width), lambda r: (r, 0))


def _full_spec(shape):
    nd = len(shape)
    return pl.BlockSpec(shape, lambda r: (0,) * nd)


def _pad48(w):
    return jnp.pad(w, ((0, 48 - w.shape[0]), (0, 0)))


def _padb(b):
    return jnp.pad(b, (0, 48 - b.shape[0]))[None, :]


def kernel(x, edge_index, sage_Wl, sage_bl, sage_Wr, cheb_W0, cheb_W1,
           cheb_W2, cheb_b, Wq, bq, Wk, bk, Wv, bv, Wskip, bskip, Wg, bg,
           gamma, beta):
    f32 = jnp.float32
    src = edge_index[0]
    dst = edge_index[1]
    padi = jnp.full((EP - EE,), DUMMY, jnp.int32)
    srcp = jnp.concatenate([src, padi])
    dstp = jnp.concatenate([dst, padi])
    xp = jnp.pad(x, ((0, NP - NN), (0, 0)))
    zrows, z16, onesr = pl.pallas_call(
        _tc_const_body,
        out_shape=[jax.ShapeDtypeStruct((NP, FD), f32),
                   jax.ShapeDtypeStruct((NP, LN), f32),
                   jax.ShapeDtypeStruct((CH, LN), f32)],
    )()

    wcatT = jnp.concatenate(
        [sage_Wl, cheb_W1, cheb_W2, jnp.zeros((2, FD), f32)], axis=0).T
    iscale = 1.0 / (42.0 ** 0.5)
    wq128T = jnp.concatenate(
        [_pad48(Wq) * iscale, jnp.zeros((80, FD), f32)], axis=0).T
    bq128 = jnp.concatenate([_padb(bq) * iscale,
                             jnp.zeros((1, 80), f32)], axis=1)
    wkv128T = jnp.concatenate(
        [_pad48(Wk), _pad48(Wv), jnp.zeros((32, FD), f32)], axis=0).T
    bkv128 = jnp.concatenate([_padb(bk), _padb(bv),
                              jnp.zeros((1, 32), f32)], axis=1)
    wmT = jnp.concatenate(
        [_pad48(sage_Wr), _pad48(cheb_W0), _pad48(cheb_W2),
         _pad48(Wskip)], axis=0).T

    hist = _sc_hist(srcp, dstp, onesr, z16)
    hist8 = jnp.concatenate(
        [hist[:, :, :, 0].reshape(4, NP), jnp.zeros((4, NP), f32)], axis=0)

    q128, kv128 = pl.pallas_call(
        _tc_qkv_body,
        grid=(GRID,),
        in_specs=[_row_spec(FD),
                  _full_spec((FD, FD)), _full_spec((1, FD)),
                  _full_spec((FD, FD)), _full_spec((1, FD))],
        out_specs=[_row_spec(FD), _row_spec(FD)],
        out_shape=[jax.ShapeDtypeStruct((NP, FD), f32),
                   jax.ShapeDtypeStruct((NP, FD), f32)],
    )(xp, wq128T, bq128, wkv128T, bkv128)

    g1 = pl.pallas_call(
        _tc_g1_body,
        grid=(GRID,),
        in_specs=[_row_spec(FD),
                  pl.BlockSpec((8, BLK), lambda r: (0, r)),
                  _full_spec((FD, FD))],
        out_specs=[_row_spec(FD)],
        out_shape=[jax.ShapeDtypeStruct((NP, FD), f32)],
    )(xp, hist8, wcatT)[0]

    s1parts, qg, kvg = _sc_main(g1, q128, kv128, srcp, dstp, zrows)

    wmsg = pl.pallas_call(
        _tc_edge_body,
        grid=(EGRID,),
        in_specs=[_row_spec(FD, EBLK), _row_spec(FD, EBLK)],
        out_specs=[_row_spec(FD, EBLK)],
        out_shape=[jax.ShapeDtypeStruct((EP, FD), f32)],
    )(qg, kvg)[0]

    h2arr = pl.pallas_call(
        _tc_h2_body,
        grid=(GRID,),
        in_specs=[pl.BlockSpec((2, BLK, FD), lambda r: (0, r, 0)),
                  pl.BlockSpec((8, BLK), lambda r: (0, r))],
        out_specs=[_row_spec(FD)],
        out_shape=[jax.ShapeDtypeStruct((NP, FD), f32)],
    )(s1parts, hist8)[0]

    accA = _sc_p3a(h2arr, srcp, dstp, zrows)
    accB = _sc_p3b(wmsg, dstp, zrows)

    y = pl.pallas_call(
        _tc_fin_body,
        grid=(GRID,),
        in_specs=[_row_spec(FD),
                  pl.BlockSpec((2, BLK, FD), lambda r: (0, r, 0)),
                  pl.BlockSpec((2, BLK, FD), lambda r: (0, r, 0)),
                  pl.BlockSpec((2, BLK, FD), lambda r: (0, r, 0)),
                  pl.BlockSpec((8, BLK), lambda r: (0, r)),
                  _full_spec((FD, 192)),
                  _full_spec((1, 48)), _full_spec((1, 48)),
                  _full_spec((1, 48)),
                  _full_spec((FD, FD)), _full_spec((1, FD)),
                  _full_spec((1, FD)), _full_spec((1, FD))],
        out_specs=[_row_spec(FD)],
        out_shape=[jax.ShapeDtypeStruct((NP, FD), f32)],
    )(xp, s1parts, accA, accB, hist8, wmT,
      _padb(sage_bl), _padb(cheb_b), _padb(bskip),
      Wg.T, bg[None, :], gamma[None, :], beta[None, :])[0]

    return y[:NN]

# --- scband reference (transcript-rebuilt; emitter-appended) ---
"""Pipeline reference for scband-multi-scale-gnnblock-29308856828502 (READ-ONLY COPY).

The authoritative reference and input builder live on the scoring server;
editing this copy changes nothing except your own understanding.
"""

import jax, jax.numpy as jnp
import numpy as np

N = 10000
E = 320000
IC = 128
H = 128
B = H // 3
PAD = H - 3 * B


def _gelu(x):
    return jax.nn.gelu(x, approximate=False)


def _segment_softmax(logits, seg, num_segments):
    m = jax.ops.segment_max(logits, seg, num_segments=num_segments)
    m = jnp.where(jnp.isfinite(m), m, 0.0)
    e = jnp.exp(logits - m[seg])
    s = jax.ops.segment_sum(e, seg, num_segments=num_segments)
    return e / (s[seg] + 1e-16)


def setup_inputs(seed: int = 0) -> dict:
    key = jax.random.key(seed)
    ks = jax.random.split(key, 24)

    def w(k, shape):
        return jax.random.normal(k, shape, dtype=jnp.float32) * 0.05

    inp = {}
    inp["x"] = jax.random.normal(ks[0], (N, IC), dtype=jnp.float32)
    inp["edge_index"] = jax.random.randint(ks[1], (2, E), 0, N, dtype=jnp.int32)
    # SAGEConv params (lin_l with bias on aggregated neighbors, lin_r no bias on root)
    inp["sage_Wl"] = w(ks[2], (B, IC)); inp["sage_bl"] = jnp.zeros((B,), jnp.float32)
    inp["sage_Wr"] = w(ks[3], (B, IC))
    # ChebConv K=3 params
    inp["cheb_W0"] = w(ks[4], (B, IC)); inp["cheb_W1"] = w(ks[5], (B, IC)); inp["cheb_W2"] = w(ks[6], (B, IC))
    inp["cheb_b"] = jnp.zeros((B,), jnp.float32)
    # TransformerConv (heads=1) params
    inp["Wq"] = w(ks[7], (B, IC)); inp["bq"] = jnp.zeros((B,), jnp.float32)
    inp["Wk"] = w(ks[8], (B, IC)); inp["bk"] = jnp.zeros((B,), jnp.float32)
    inp["Wv"] = w(ks[9], (B, IC)); inp["bv"] = jnp.zeros((B,), jnp.float32)
    inp["Wskip"] = w(ks[10], (B, IC)); inp["bskip"] = jnp.zeros((B,), jnp.float32)
    # channel gate linear
    inp["Wg"] = w(ks[11], (H, H)); inp["bg"] = jnp.zeros((H,), jnp.float32)
    # LayerNorm
    inp["gamma"] = jnp.ones((H,), jnp.float32); inp["beta"] = jnp.zeros((H,), jnp.float32)
    return inp


def reference(x, edge_index, sage_Wl, sage_bl, sage_Wr, cheb_W0, cheb_W1, cheb_W2, cheb_b,
              Wq, bq, Wk, bk, Wv, bv, Wskip, bskip, Wg, bg, gamma, beta):
    n = x.shape[0]
    src = edge_index[0]
    dst = edge_index[1]
    fE = src.shape[0]

    # ---- Branch 1: SAGEConv (mean aggregation) ----
    msg = x[src]
    summ = jax.ops.segment_sum(msg, dst, num_segments=n)
    cnt = jax.ops.segment_sum(jnp.ones((fE,), x.dtype), dst, num_segments=n)
    mean = summ / jnp.maximum(cnt, 1.0)[:, None]
    xl = mean @ sage_Wl.T + sage_bl + x @ sage_Wr.T
    xl = _gelu(xl)

    # ---- Branch 2: ChebConv K=3 (sym norm, lambda_max=2.0 -> Lhat = -D^-1/2 A D^-1/2) ----
    deg = jax.ops.segment_sum(jnp.ones((fE,), x.dtype), src, num_segments=n)
    dinv = jnp.where(deg > 0, deg ** -0.5, 0.0)
    norm = -(dinv[src] * dinv[dst])

    def lhat(v):
        return jax.ops.segment_sum(norm[:, None] * v[src], dst, num_segments=n)

    Tx0 = x
    Tx1 = lhat(x)
    Tx2 = 2.0 * lhat(Tx1) - Tx0
    xs = Tx0 @ cheb_W0.T + Tx1 @ cheb_W1.T + Tx2 @ cheb_W2.T + cheb_b
    xs = _gelu(xs)

    # ---- Branch 3: TransformerConv heads=1 (eval mode, dropout inactive) ----
    q = x @ Wq.T + bq
    k = x @ Wk.T + bk
    v = x @ Wv.T + bv
    alpha = (q[dst] * k[src]).sum(-1) / jnp.sqrt(jnp.asarray(B, x.dtype))
    alpha = _segment_softmax(alpha, dst, n)
    xa = jax.ops.segment_sum(alpha[:, None] * v[src], dst, num_segments=n)
    xa = xa + x @ Wskip.T + bskip
    xa = _gelu(xa)
    if PAD > 0:
        xa = jnp.pad(xa, ((0, 0), (0, PAD)))

    cat = jnp.concatenate([xl, xs, xa], axis=-1)
    gate = jax.nn.sigmoid(cat @ Wg.T + bg)
    out = gate * cat + x  # ic == h -> residual is Identity

    mu = out.mean(-1, keepdims=True)
    var = out.var(-1, keepdims=True)
    y = (out - mu) / jnp.sqrt(var + 1e-5) * gamma + beta
    return _gelu(y)

if __name__ == "__main__":
    import jax
    _d = setup_inputs()
    print(jax.jit(kernel)(*tuple(_d.values())))

</pallas_src>

<mosaic_0001>
#map = affine_map<(d0, d1) -> (0)>
#map1 = affine_map<(d0, d1) -> (0, 0)>
#map2 = affine_map<(d0, d1) -> (0, 0, 0, 0)>
module attributes {stable_mosaic.version = 14 : i64} {
  func.func @_sc_hist(%arg0: i32, %arg1: i32, %arg2: memref<327680xi32, #tpu.memory_space<hbm>>, %arg3: memref<327680xi32, #tpu.memory_space<hbm>>, %arg4: memref<128x16xf32, #tpu.memory_space<hbm>>, %arg5: memref<10240x16xf32, #tpu.memory_space<hbm>>, %arg6: memref<2x2x10240x16xf32, #tpu.memory_space<hbm>>, %arg7: memref<128xi32, #tpu.memory_space<vmem>>, %arg8: memref<128xi32, #tpu.memory_space<vmem>>, %arg9: memref<128x16xf32, #tpu.memory_space<vmem>>, %arg10: memref<10240x16xf32, #tpu.memory_space<vmem_shared>>, %arg11: memref<10240x16xf32, #tpu.memory_space<vmem_shared>>) attributes {dimension_semantics = [#tpu.dimension_semantics<core_parallel>, #tpu.dimension_semantics<subcore_parallel>], iteration_bounds = array<i64: 2, 16>, scalar_prefetch = 0 : i64, scratch_operands = 5 : i64, tpu.core_type = #tpu.core_type<sc_vector_subcore>, window_params = [{transform_indices = #map}, {transform_indices = #map}, {transform_indices = #map1}, {transform_indices = #map1}, {transform_indices = #map2}]} {
    %mul3A = arith.constant 2 : i32
    %mul3A_0 = arith.muli %arg1, %mul3A : i32
    %add3A = arith.addi %mul3A_0, %arg0 : i32
    %mul3A_1 = arith.constant 640 : i32
    %mul3A_2 = arith.muli %arg1, %mul3A_1 : i32
    "tpu.region"() ({
      %run_scoped3A_12 = tpu.sem_alloc : memref<!tpu.dma_semaphore, #tpu.memory_space<semaphore_mem>>
      tpu.enqueue_dma source(%arg4 : memref<128x16xf32, #tpu.memory_space<hbm>>) target(%arg9 : memref<128x16xf32, #tpu.memory_space<vmem>>) target_semaphore(%run_scoped3A_12 : memref<!tpu.dma_semaphore, #tpu.memory_space<semaphore_mem>>)
      tpu.wait_dma2 semaphore(%run_scoped3A_12 : memref<!tpu.dma_semaphore, #tpu.memory_space<semaphore_mem>>) src(%arg4 : memref<128x16xf32, #tpu.memory_space<hbm>>) dst(%arg9 : memref<128x16xf32, #tpu.memory_space<vmem>>)
      tpu.yield
    }) : () -> ()
    "tpu.region"() ({
      %run_scoped3A_12 = tpu.sem_alloc : memref<!tpu.dma_semaphore, #tpu.memory_space<semaphore_mem>>
      %dma_start3A = arith.constant 0 : i32
      %dma_start3A_13 = tpu.memref_slice %arg10[%mul3A_2, %dma_start3A] : memref<10240x16xf32, #tpu.memory_space<vmem_shared>> -> memref<640x16xf32, #tpu.memory_space<vmem_shared>>
      %dma_start3A_14 = arith.constant 0 : i32
      %dma_start3A_15 = tpu.memref_slice %arg5[%mul3A_2, %dma_start3A_14] : memref<10240x16xf32, #tpu.memory_space<hbm>> -> memref<640x16xf32, #tpu.memory_space<hbm>>
      tpu.enqueue_dma source(%dma_start3A_15 : memref<640x16xf32, #tpu.memory_space<hbm>>) target(%dma_start3A_13 : memref<640x16xf32, #tpu.memory_space<vmem_shared>>) target_semaphore(%run_scoped3A_12 : memref<!tpu.dma_semaphore, #tpu.memory_space<semaphore_mem>>)
      %dma_wait3A = arith.constant 0 : i32
      %dma_wait3A_16 = tpu.memref_slice %arg10[%mul3A_2, %dma_wait3A] : memref<10240x16xf32, #tpu.memory_space<vmem_shared>> -> memref<640x16xf32, #tpu.memory_space<vmem_shared>>
      %dma_wait3A_17 = arith.constant 0 : i32
      %dma_wait3A_18 = tpu.memref_slice %arg5[%mul3A_2, %dma_wait3A_17] : memref<10240x16xf32, #tpu.memory_space<hbm>> -> memref<640x16xf32, #tpu.memory_space<hbm>>
      tpu.wait_dma2 semaphore(%run_scoped3A_12 : memref<!tpu.dma_semaphore, #tpu.memory_space<semaphore_mem>>) src(%dma_wait3A_18 : memref<640x16xf32, #tpu.memory_space<hbm>>) dst(%dma_wait3A_16 : memref<640x16xf32, #tpu.memory_space<vmem_shared>>)
      tpu.yield
    }) : () -> ()
    "tpu.region"() ({
      %run_scoped3A_12 = tpu.sem_alloc : memref<!tpu.dma_semaphore, #tpu.memory_space<semaphore_mem>>
      %dma_start3A = arith.constant 0 : i32
      %dma_start3A_13 = tpu.memref_slice %arg11[%mul3A_2, %dma_start3A] : memref<10240x16xf32, #tpu.memory_space<vmem_shared>> -> memref<640x16xf32, #tpu.memory_space<vmem_shared>>
      %dma_start3A_14 = arith.constant 0 : i32
      %dma_start3A_15 = tpu.memref_slice %arg5[%mul3A_2, %dma_start3A_14] : memref<10240x16xf32, #tpu.memory_space<hbm>> -> memref<640x16xf32, #tpu.memory_space<hbm>>
      tpu.enqueue_dma source(%dma_start3A_15 : memref<640x16xf32, #tpu.memory_space<hbm>>) target(%dma_start3A_13 : memref<640x16xf32, #tpu.memory_space<vmem_shared>>) target_semaphore(%run_scoped3A_12 : memref<!tpu.dma_semaphore, #tpu.memory_space<semaphore_mem>>)
      %dma_wait3A = arith.constant 0 : i32
      %dma_wait3A_16 = tpu.memref_slice %arg11[%mul3A_2, %dma_wait3A] : memref<10240x16xf32, #tpu.memory_space<vmem_shared>> -> memref<640x16xf32, #tpu.memory_space<vmem_shared>>
      %dma_wait3A_17 = arith.constant 0 : i32
      %dma_wait3A_18 = tpu.memref_slice %arg5[%mul3A_2, %dma_wait3A_17] : memref<10240x16xf32, #tpu.memory_space<hbm>> -> memref<640x16xf32, #tpu.memory_space<hbm>>
      tpu.wait_dma2 semaphore(%run_scoped3A_12 : memref<!tpu.dma_semaphore, #tpu.memory_space<semaphore_mem>>) src(%dma_wait3A_18 : memref<640x16xf32, #tpu.memory_space<hbm>>) dst(%dma_wait3A_16 : memref<640x16xf32, #tpu.memory_space<vmem_shared>>)
      tpu.yield
    }) : () -> ()
    %barrier3A = arith.constant 0 : index
    tpu.barrier barrier_id(%barrier3A)
    %mul3A_3 = arith.constant 10240 : i32
    %mul3A_4 = arith.muli %add3A, %mul3A_3 : i32
    %scan3A = arith.constant 0 : i32
    %scan3A_5 = arith.constant 0 : i32
    %scan3A_6 = arith.constant 80 : i32
    %scan3A_7 = arith.addi %scan3A_5, %scan3A_6 : i32
    %scan3A_8 = arith.constant 1 : i32
    scf.for %scan3A_12 = %scan3A_5 to %scan3A_7 step %scan3A_8  : i32 {
      %mul3A_13 = arith.constant 128 : i32
      %mul3A_14 = arith.muli %scan3A_12, %mul3A_13 : i32
      %add3A_15 = arith.addi %mul3A_4, %mul3A_14 : i32
      "tpu.region"() ({
        %run_scoped3A_16 = tpu.sem_alloc : memref<!tpu.dma_semaphore, #tpu.memory_space<semaphore_mem>>
        %dma_start3A = tpu.memref_slice %arg2[%add3A_15] : memref<327680xi32, #tpu.memory_space<hbm>> -> memref<128xi32, #tpu.memory_space<hbm>>
        %dma_start3A_17 = tpu.memref_slice %arg2[%add3A_15] : memref<327680xi32, #tpu.memory_space<hbm>> -> memref<128xi32, #tpu.memory_space<hbm>>
        tpu.enqueue_dma source(%dma_start3A_17 : memref<128xi32, #tpu.memory_space<hbm>>) target(%arg7 : memref<128xi32, #tpu.memory_space<vmem>>) target_semaphore(%run_scoped3A_16 : memref<!tpu.dma_semaphore, #tpu.memory_space<semaphore_mem>>)
        %dma_wait3A = tpu.memref_slice %arg2[%add3A_15] : memref<327680xi32, #tpu.memory_space<hbm>> -> memref<128xi32, #tpu.memory_space<hbm>>
        %dma_wait3A_18 = tpu.memref_slice %arg2[%add3A_15] : memref<327680xi32, #tpu.memory_space<hbm>> -> memref<128xi32, #tpu.memory_space<hbm>>
        tpu.wait_dma2 semaphore(%run_scoped3A_16 : memref<!tpu.dma_semaphore, #tpu.memory_space<semaphore_mem>>) src(%dma_wait3A_18 : memref<128xi32, #tpu.memory_space<hbm>>) dst(%arg7 : memref<128xi32, #tpu.memory_space<vmem>>)
        tpu.yield
      }) : () -> ()
      "tpu.region"() ({
        %run_scoped3A_16 = tpu.sem_alloc : memref<!tpu.dma_semaphore, #tpu.memory_space<semaphore_mem>>
        %dma_start3A = tpu.memref_slice %arg3[%add3A_15] : memref<327680xi32, #tpu.memory_space<hbm>> -> memref<128xi32, #tpu.memory_space<hbm>>
        %dma_start3A_17 = tpu.memref_slice %arg3[%add3A_15] : memref<327680xi32, #tpu.memory_space<hbm>> -> memref<128xi32, #tpu.memory_space<hbm>>
        tpu.enqueue_dma source(%dma_start3A_17 : memref<128xi32, #tpu.memory_space<hbm>>) target(%arg8 : memref<128xi32, #tpu.memory_space<vmem>>) target_semaphore(%run_scoped3A_16 : memref<!tpu.dma_semaphore, #tpu.memory_space<semaphore_mem>>)
        %dma_wait3A = tpu.memref_slice %arg3[%add3A_15] : memref<327680xi32, #tpu.memory_space<hbm>> -> memref<128xi32, #tpu.memory_space<hbm>>
        %dma_wait3A_18 = tpu.memref_slice %arg3[%add3A_15] : memref<327680xi32, #tpu.memory_space<hbm>> -> memref<128xi32, #tpu.memory_space<hbm>>
        tpu.wait_dma2 semaphore(%run_scoped3A_16 : memref<!tpu.dma_semaphore, #tpu.memory_space<semaphore_mem>>) src(%dma_wait3A_18 : memref<128xi32, #tpu.memory_space<hbm>>) dst(%arg8 : memref<128xi32, #tpu.memory_space<vmem>>)
        tpu.yield
      }) : () -> ()
      "tpu.region"() ({
        %run_scoped3A_16 = tpu.sem_alloc : memref<!tpu.dma_semaphore, #tpu.memory_space<semaphore_mem>>
        %dma_start3A = arith.constant 0 : i32
        %dma_start3A_17 = arith.constant 0 : i32
        %dma_start3A_18 = tpu.memref_slice %arg10[%dma_start3A, %dma_start3A_17] : memref<10240x16xf32, #tpu.memory_space<vmem_shared>> -> memref<10240x16xf32, #tpu.memory_space<vmem_shared>>
        tpu.enqueue_indirect_dma source(%arg9 : memref<128x16xf32, #tpu.memory_space<vmem>>) target(%dma_start3A_18 : memref<10240x16xf32, #tpu.memory_space<vmem_shared>>) offsets(%arg7 : memref<128xi32, #tpu.memory_space<vmem>>) semaphore(%run_scoped3A_16 : memref<!tpu.dma_semaphore, #tpu.memory_space<semaphore_mem>>) {add = true}
        %dma_wait3A = arith.constant 0 : i32
        %dma_wait3A_19 = arith.constant 0 : i32
        %dma_wait3A_20 = tpu.memref_slice %arg10[%dma_wait3A, %dma_wait3A_19] : memref<10240x16xf32, #tpu.memory_space<vmem_shared>> -> memref<10240x16xf32, #tpu.memory_space<vmem_shared>>
        tpu.wait_indirect_dma semaphore(%run_scoped3A_16 : memref<!tpu.dma_semaphore, #tpu.memory_space<semaphore_mem>>) src(%arg9 : memref<128x16xf32, #tpu.memory_space<vmem>>) dst(%dma_wait3A_20 : memref<10240x16xf32, #tpu.memory_space<vmem_shared>>)
        tpu.yield
      }) : () -> ()
      "tpu.region"() ({
        %run_scoped3A_16 = tpu.sem_alloc : memref<!tpu.dma_semaphore, #tpu.memory_space<semaphore_mem>>
        %dma_start3A = arith.constant 0 : i32
        %dma_start3A_17 = arith.constant 0 : i32
        %dma_start3A_18 = tpu.memref_slice %arg11[%dma_start3A, %dma_start3A_17] : memref<10240x16xf32, #tpu.memory_space<vmem_shared>> -> memref<10240x16xf32, #tpu.memory_space<vmem_shared>>
        tpu.enqueue_indirect_dma source(%arg9 : memref<128x16xf32, #tpu.memory_space<vmem>>) target(%dma_start3A_18 : memref<10240x16xf32, #tpu.memory_space<vmem_shared>>) offsets(%arg8 : memref<128xi32, #tpu.memory_space<vmem>>) semaphore(%run_scoped3A_16 : memref<!tpu.dma_semaphore, #tpu.memory_space<semaphore_mem>>) {add = true}
        %dma_wait3A = arith.constant 0 : i32
        %dma_wait3A_19 = arith.constant 0 : i32
        %dma_wait3A_20 = tpu.memref_slice %arg11[%dma_wait3A, %dma_wait3A_19] : memref<10240x16xf32, #tpu.memory_space<vmem_shared>> -> memref<10240x16xf32, #tpu.memory_space<vmem_shared>>
        tpu.wait_indirect_dma semaphore(%run_scoped3A_16 : memref<!tpu.dma_semaphore, #tpu.memory_space<semaphore_mem>>) src(%arg9 : memref<128x16xf32, #tpu.memory_space<vmem>>) dst(%dma_wait3A_20 : memref<10240x16xf32, #tpu.memory_space<vmem_shared>>)
        tpu.yield
      }) : () -> ()
    }
    %scan3A_9 = arith.constant 80 : i32
    %barrier3A_10 = arith.constant 0 : index
    tpu.barrier barrier_id(%barrier3A_10)
    %run_scoped3A = arith.constant 0 : i32
    "tpu.region"() ({
      %run_scoped3A_12 = tpu.sem_alloc : memref<!tpu.dma_semaphore, #tpu.memory_space<semaphore_mem>>
      %dma_start3A = arith.constant 0 : i32
      %dma_start3A_13 = tpu.memref_slice %arg6[%arg0, %run_scoped3A, %mul3A_2, %dma_start3A] : memref<2x2x10240x16xf32, #tpu.memory_space<hbm>> -> memref<1x1x640x16xf32, #tpu.memory_space<hbm>>
      %dma_start3A_14 = tpu.memref_squeeze %dma_start3A_13 : memref<1x1x640x16xf32, #tpu.memory_space<hbm>> -> memref<640x16xf32, #tpu.memory_space<hbm>>
      %dma_start3A_15 = arith.constant 0 : i32
      %dma_start3A_16 = tpu.memref_slice %arg10[%mul3A_2, %dma_start3A_15] : memref<10240x16xf32, #tpu.memory_space<vmem_shared>> -> memref<640x16xf32, #tpu.memory_space<vmem_shared>>
      tpu.enqueue_dma source(%dma_start3A_16 : memref<640x16xf32, #tpu.memory_space<vmem_shared>>) target(%dma_start3A_14 : memref<640x16xf32, #tpu.memory_space<hbm>>) target_semaphore(%run_scoped3A_12 : memref<!tpu.dma_semaphore, #tpu.memory_space<semaphore_mem>>)
      %dma_wait3A = arith.constant 0 : i32
      %dma_wait3A_17 = tpu.memref_slice %arg6[%arg0, %run_scoped3A, %mul3A_2, %dma_wait3A] : memref<2x2x10240x16xf32, #tpu.memory_space<hbm>> -> memref<1x1x640x16xf32, #tpu.memory_space<hbm>>
      %dma_wait3A_18 = tpu.memref_squeeze %dma_wait3A_17 : memref<1x1x640x16xf32, #tpu.memory_space<hbm>> -> memref<640x16xf32, #tpu.memory_space<hbm>>
      %dma_wait3A_19 = arith.constant 0 : i32
      %dma_wait3A_20 = tpu.memref_slice %arg10[%mul3A_2, %dma_wait3A_19] : memref<10240x16xf32, #tpu.memory_space<vmem_shared>> -> memref<640x16xf32, #tpu.memory_space<vmem_shared>>
      tpu.wait_dma2 semaphore(%run_scoped3A_12 : memref<!tpu.dma_semaphore, #tpu.memory_space<semaphore_mem>>) src(%dma_wait3A_20 : memref<640x16xf32, #tpu.memory_space<vmem_shared>>) dst(%dma_wait3A_18 : memref<640x16xf32, #tpu.memory_space<hbm>>)
      tpu.yield
    }) : () -> ()
    %run_scoped3A_11 = arith.constant 1 : i32
    "tpu.region"() ({
      %run_scoped3A_12 = tpu.sem_alloc : memref<!tpu.dma_semaphore, #tpu.memory_space<semaphore_mem>>
      %dma_start3A = arith.constant 0 : i32
      %dma_start3A_13 = tpu.memref_slice %arg6[%arg0, %run_scoped3A_11, %mul3A_2, %dma_start3A] : memref<2x2x10240x16xf32, #tpu.memory_space<hbm>> -> memref<1x1x640x16xf32, #tpu.memory_space<hbm>>
      %dma_start3A_14 = tpu.memref_squeeze %dma_start3A_13 : memref<1x1x640x16xf32, #tpu.memory_space<hbm>> -> memref<640x16xf32, #tpu.memory_space<hbm>>
      %dma_start3A_15 = arith.constant 0 : i32
      %dma_start3A_16 = tpu.memref_slice %arg11[%mul3A_2, %dma_start3A_15] : memref<10240x16xf32, #tpu.memory_space<vmem_shared>> -> memref<640x16xf32, #tpu.memory_space<vmem_shared>>
      tpu.enqueue_dma source(%dma_start3A_16 : memref<640x16xf32, #tpu.memory_space<vmem_shared>>) target(%dma_start3A_14 : memref<640x16xf32, #tpu.memory_space<hbm>>) target_semaphore(%run_scoped3A_12 : memref<!tpu.dma_semaphore, #tpu.memory_space<semaphore_mem>>)
      %dma_wait3A = arith.constant 0 : i32
      %dma_wait3A_17 = tpu.memref_slice %arg6[%arg0, %run_scoped3A_11, %mul3A_2, %dma_wait3A] : memref<2x2x10240x16xf32, #tpu.memory_space<hbm>> -> memref<1x1x640x16xf32, #tpu.memory_space<hbm>>
      %dma_wait3A_18 = tpu.memref_squeeze %dma_wait3A_17 : memref<1x1x640x16xf32, #tpu.memory_space<hbm>> -> memref<640x16xf32, #tpu.memory_space<hbm>>
      %dma_wait3A_19 = arith.constant 0 : i32
      %dma_wait3A_20 = tpu.memref_slice %arg11[%mul3A_2, %dma_wait3A_19] : memref<10240x16xf32, #tpu.memory_space<vmem_shared>> -> memref<640x16xf32, #tpu.memory_space<vmem_shared>>
      tpu.wait_dma2 semaphore(%run_scoped3A_12 : memref<!tpu.dma_semaphore, #tpu.memory_space<semaphore_mem>>) src(%dma_wait3A_20 : memref<640x16xf32, #tpu.memory_space<vmem_shared>>) dst(%dma_wait3A_18 : memref<640x16xf32, #tpu.memory_space<hbm>>)
      tpu.yield
    }) : () -> ()
    return
  }
}

#map = affine_map<(d0, d1) -> (0, 0)>
#map1 = affine_map<(d0, d1) -> (0)>
#map2 = affine_map<(d0, d1) -> (0, 0, 0)>
module attributes {stable_mosaic.version = 14 : i64} {
  func.func @_sc_p3a(%arg0: i32, %arg1: i32, %arg2: memref<10240x128xf32, #tpu.memory_space<hbm>>, %arg3: memref<327680xi32, #tpu.memory_space<hbm>>, %arg4: memref<327680xi32, #tpu.memory_space<hbm>>, %arg5: memref<10240x128xf32, #tpu.memory_space<hbm>>, %arg6: memref<2x10240x128xf32, #tpu.memory_space<hbm>>, %arg7: memref<128xi32, #tpu.memory_space<vmem>>, %arg8: memref<128xi32, #tpu.memory_space<vmem>>, %arg9: memref<128x128xf32, #tpu.memory_space<vmem>>, %arg10: memref<10240x128xf32, #tpu.memory_space<vmem_shared>>, %arg11: memref<!tpu.dma_semaphore, #tpu.memory_space<semaphore_mem>>) attributes {dimension_semantics = [#tpu.dimension_semantics<core_parallel>, #tpu.dimension_semantics<subcore_parallel>], iteration_bounds = array<i64: 2, 16>, scalar_prefetch = 0 : i64, scratch_operands = 5 : i64, tpu.core_type = #tpu.core_type<sc_vector_subcore>, window_params = [{transform_indices = #map}, {transform_indices = #map1}, {transform_indices = #map1}, {transform_indices = #map}, {transform_indices = #map2}]} {
    %mul3A = arith.constant 2 : i32
    %mul3A_0 = arith.muli %arg1, %mul3A : i32
    %add3A = arith.addi %mul3A_0, %arg0 : i32
    %mul3A_1 = arith.constant 640 : i32
    %mul3A_2 = arith.muli %arg1, %mul3A_1 : i32
    "tpu.region"() ({
      %run_scoped3A = tpu.sem_alloc : memref<!tpu.dma_semaphore, #tpu.memory_space<semaphore_mem>>
      %dma_start3A = arith.constant 0 : i32
      %dma_start3A_11 = tpu.memref_slice %arg10[%mul3A_2, %dma_start3A] : memref<10240x128xf32, #tpu.memory_space<vmem_shared>> -> memref<640x128xf32, #tpu.memory_space<vmem_shared>>
      %dma_start3A_12 = arith.constant 0 : i32
      %dma_start3A_13 = tpu.memref_slice %arg5[%mul3A_2, %dma_start3A_12] : memref<10240x128xf32, #tpu.memory_space<hbm>> -> memref<640x128xf32, #tpu.memory_space<hbm>>
      tpu.enqueue_dma source(%dma_start3A_13 : memref<640x128xf32, #tpu.memory_space<hbm>>) target(%dma_start3A_11 : memref<640x128xf32, #tpu.memory_space<vmem_shared>>) target_semaphore(%run_scoped3A : memref<!tpu.dma_semaphore, #tpu.memory_space<semaphore_mem>>)
      %dma_wait3A = arith.constant 0 : i32
      %dma_wait3A_14 = tpu.memref_slice %arg10[%mul3A_2, %dma_wait3A] : memref<10240x128xf32, #tpu.memory_space<vmem_shared>> -> memref<640x128xf32, #tpu.memory_space<vmem_shared>>
      %dma_wait3A_15 = arith.constant 0 : i32
      %dma_wait3A_16 = tpu.memref_slice %arg5[%mul3A_2, %dma_wait3A_15] : memref<10240x128xf32, #tpu.memory_space<hbm>> -> memref<640x128xf32, #tpu.memory_space<hbm>>
      tpu.wait_dma2 semaphore(%run_scoped3A : memref<!tpu.dma_semaphore, #tpu.memory_space<semaphore_mem>>) src(%dma_wait3A_16 : memref<640x128xf32, #tpu.memory_space<hbm>>) dst(%dma_wait3A_14 : memref<640x128xf32, #tpu.memory_space<vmem_shared>>)
      tpu.yield
    }) : () -> ()
    %barrier3A = arith.constant 0 : index
    tpu.barrier barrier_id(%barrier3A)
    %mul3A_3 = arith.constant 10240 : i32
    %mul3A_4 = arith.muli %add3A, %mul3A_3 : i32
    %scan3A = arith.constant 0 : i32
    %scan3A_5 = arith.constant 0 : i32
    %scan3A_6 = arith.constant 80 : i32
    %scan3A_7 = arith.addi %scan3A_5, %scan3A_6 : i32
    %scan3A_8 = arith.constant 1 : i32
    scf.for %scan3A_11 = %scan3A_5 to %scan3A_7 step %scan3A_8  : i32 {
      %mul3A_12 = arith.constant 128 : i32
      %mul3A_13 = arith.muli %scan3A_11, %mul3A_12 : i32
      %add3A_14 = arith.addi %mul3A_4, %mul3A_13 : i32
      "tpu.region"() ({
        %run_scoped3A = tpu.sem_alloc : memref<!tpu.dma_semaphore, #tpu.memory_space<semaphore_mem>>
        %dma_start3A_19 = tpu.memref_slice %arg3[%add3A_14] : memref<327680xi32, #tpu.memory_space<hbm>> -> memref<128xi32, #tpu.memory_space<hbm>>
        %dma_start3A_20 = tpu.memref_slice %arg3[%add3A_14] : memref<327680xi32, #tpu.memory_space<hbm>> -> memref<128xi32, #tpu.memory_space<hbm>>
        tpu.enqueue_dma source(%dma_start3A_20 : memref<128xi32, #tpu.memory_space<hbm>>) target(%arg7 : memref<128xi32, #tpu.memory_space<vmem>>) target_semaphore(%run_scoped3A : memref<!tpu.dma_semaphore, #tpu.memory_space<semaphore_mem>>)
        %dma_wait3A_21 = tpu.memref_slice %arg3[%add3A_14] : memref<327680xi32, #tpu.memory_space<hbm>> -> memref<128xi32, #tpu.memory_space<hbm>>
        %dma_wait3A_22 = tpu.memref_slice %arg3[%add3A_14] : memref<327680xi32, #tpu.memory_space<hbm>> -> memref<128xi32, #tpu.memory_space<hbm>>
        tpu.wait_dma2 semaphore(%run_scoped3A : memref<!tpu.dma_semaphore, #tpu.memory_space<semaphore_mem>>) src(%dma_wait3A_22 : memref<128xi32, #tpu.memory_space<hbm>>) dst(%arg7 : memref<128xi32, #tpu.memory_space<vmem>>)
        tpu.yield
      }) : () -> ()
      "tpu.region"() ({
        %run_scoped3A = tpu.sem_alloc : memref<!tpu.dma_semaphore, #tpu.memory_space<semaphore_mem>>
        %dma_start3A_19 = tpu.memref_slice %arg4[%add3A_14] : memref<327680xi32, #tpu.memory_space<hbm>> -> memref<128xi32, #tpu.memory_space<hbm>>
        %dma_start3A_20 = tpu.memref_slice %arg4[%add3A_14] : memref<327680xi32, #tpu.memory_space<hbm>> -> memref<128xi32, #tpu.memory_space<hbm>>
        tpu.enqueue_dma source(%dma_start3A_20 : memref<128xi32, #tpu.memory_space<hbm>>) target(%arg8 : memref<128xi32, #tpu.memory_space<vmem>>) target_semaphore(%run_scoped3A : memref<!tpu.dma_semaphore, #tpu.memory_space<semaphore_mem>>)
        %dma_wait3A_21 = tpu.memref_slice %arg4[%add3A_14] : memref<327680xi32, #tpu.memory_space<hbm>> -> memref<128xi32, #tpu.memory_space<hbm>>
        %dma_wait3A_22 = tpu.memref_slice %arg4[%add3A_14] : memref<327680xi32, #tpu.memory_space<hbm>> -> memref<128xi32, #tpu.memory_space<hbm>>
        tpu.wait_dma2 semaphore(%run_scoped3A : memref<!tpu.dma_semaphore, #tpu.memory_space<semaphore_mem>>) src(%dma_wait3A_22 : memref<128xi32, #tpu.memory_space<hbm>>) dst(%arg8 : memref<128xi32, #tpu.memory_space<vmem>>)
        tpu.yield
      }) : () -> ()
      %dma_start3A = arith.constant 0 : i32
      %dma_start3A_15 = arith.constant 0 : i32
      %dma_start3A_16 = tpu.memref_slice %arg2[%dma_start3A, %dma_start3A_15] : memref<10240x128xf32, #tpu.memory_space<hbm>> -> memref<10240x128xf32, #tpu.memory_space<hbm>>
      tpu.enqueue_indirect_dma source(%dma_start3A_16 : memref<10240x128xf32, #tpu.memory_space<hbm>>) target(%arg9 : memref<128x128xf32, #tpu.memory_space<vmem>>) offsets(%arg7 : memref<128xi32, #tpu.memory_space<vmem>>) semaphore(%arg11 : memref<!tpu.dma_semaphore, #tpu.memory_space<semaphore_mem>>)
      %dma_wait3A = arith.constant 0 : i32
      %dma_wait3A_17 = arith.constant 0 : i32
      %dma_wait3A_18 = tpu.memref_slice %arg2[%dma_wait3A, %dma_wait3A_17] : memref<10240x128xf32, #tpu.memory_space<hbm>> -> memref<10240x128xf32, #tpu.memory_space<hbm>>
      tpu.wait_indirect_dma semaphore(%arg11 : memref<!tpu.dma_semaphore, #tpu.memory_space<semaphore_mem>>) src(%dma_wait3A_18 : memref<10240x128xf32, #tpu.memory_space<hbm>>) dst(%arg9 : memref<128x128xf32, #tpu.memory_space<vmem>>)
      "tpu.region"() ({
        %run_scoped3A = tpu.sem_alloc : memref<!tpu.dma_semaphore, #tpu.memory_space<semaphore_mem>>
        %dma_start3A_19 = arith.constant 0 : i32
        %dma_start3A_20 = arith.constant 0 : i32
        %dma_start3A_21 = tpu.memref_slice %arg10[%dma_start3A_19, %dma_start3A_20] : memref<10240x128xf32, #tpu.memory_space<vmem_shared>> -> memref<10240x128xf32, #tpu.memory_space<vmem_shared>>
        tpu.enqueue_indirect_dma source(%arg9 : memref<128x128xf32, #tpu.memory_space<vmem>>) target(%dma_start3A_21 : memref<10240x128xf32, #tpu.memory_space<vmem_shared>>) offsets(%arg8 : memref<128xi32, #tpu.memory_space<vmem>>) semaphore(%run_scoped3A : memref<!tpu.dma_semaphore, #tpu.memory_space<semaphore_mem>>) {add = true}
        %dma_wait3A_22 = arith.constant 0 : i32
        %dma_wait3A_23 = arith.constant 0 : i32
        %dma_wait3A_24 = tpu.memref_slice %arg10[%dma_wait3A_22, %dma_wait3A_23] : memref<10240x128xf32, #tpu.memory_space<vmem_shared>> -> memref<10240x128xf32, #tpu.memory_space<vmem_shared>>
        tpu.wait_indirect_dma semaphore(%run_scoped3A : memref<!tpu.dma_semaphore, #tpu.memory_space<semaphore_mem>>) src(%arg9 : memref<128x128xf32, #tpu.memory_space<vmem>>) dst(%dma_wait3A_24 : memref<10240x128xf32, #tpu.memory_space<vmem_shared>>)
        tpu.yield
      }) : () -> ()
    }
    %scan3A_9 = arith.constant 80 : i32
    %barrier3A_10 = arith.constant 0 : index
    tpu.barrier barrier_id(%barrier3A_10)
    "tpu.region"() ({
      %run_scoped3A = tpu.sem_alloc : memref<!tpu.dma_semaphore, #tpu.memory_space<semaphore_mem>>
      %dma_start3A = arith.constant 0 : i32
      %dma_start3A_11 = tpu.memref_slice %arg6[%arg0, %mul3A_2, %dma_start3A] : memref<2x10240x128xf32, #tpu.memory_space<hbm>> -> memref<1x640x128xf32, #tpu.memory_space<hbm>>
      %dma_start3A_12 = tpu.memref_squeeze %dma_start3A_11 : memref<1x640x128xf32, #tpu.memory_space<hbm>> -> memref<640x128xf32, #tpu.memory_space<hbm>>
      %dma_start3A_13 = arith.constant 0 : i32
      %dma_start3A_14 = tpu.memref_slice %arg10[%mul3A_2, %dma_start3A_13] : memref<10240x128xf32, #tpu.memory_space<vmem_shared>> -> memref<640x128xf32, #tpu.memory_space<vmem_shared>>
      tpu.enqueue_dma source(%dma_start3A_14 : memref<640x128xf32, #tpu.memory_space<vmem_shared>>) target(%dma_start3A_12 : memref<640x128xf32, #tpu.memory_space<hbm>>) target_semaphore(%run_scoped3A : memref<!tpu.dma_semaphore, #tpu.memory_space<semaphore_mem>>)
      %dma_wait3A = arith.constant 0 : i32
      %dma_wait3A_15 = tpu.memref_slice %arg6[%arg0, %mul3A_2, %dma_wait3A] : memref<2x10240x128xf32, #tpu.memory_space<hbm>> -> memref<1x640x128xf32, #tpu.memory_space<hbm>>
      %dma_wait3A_16 = tpu.memref_squeeze %dma_wait3A_15 : memref<1x640x128xf32, #tpu.memory_space<hbm>> -> memref<640x128xf32, #tpu.memory_space<hbm>>
      %dma_wait3A_17 = arith.constant 0 : i32
      %dma_wait3A_18 = tpu.memref_slice %arg10[%mul3A_2, %dma_wait3A_17] : memref<10240x128xf32, #tpu.memory_space<vmem_shared>> -> memref<640x128xf32, #tpu.memory_space<vmem_shared>>
      tpu.wait_dma2 semaphore(%run_scoped3A : memref<!tpu.dma_semaphore, #tpu.memory_space<semaphore_mem>>) src(%dma_wait3A_18 : memref<640x128xf32, #tpu.memory_space<vmem_shared>>) dst(%dma_wait3A_16 : memref<640x128xf32, #tpu.memory_space<hbm>>)
      tpu.yield
    }) : () -> ()
    return
  }
}

#map = affine_map<(d0, d1) -> (0, 0)>
#map1 = affine_map<(d0, d1) -> (0)>
#map2 = affine_map<(d0, d1) -> (0, 0, 0)>
module attributes {stable_mosaic.version = 14 : i64} {
  func.func @_sc_main(%arg0: i32, %arg1: i32, %arg2: memref<10240x128xf32, #tpu.memory_space<hbm>>, %arg3: memref<10240x128xf32, #tpu.memory_space<hbm>>, %arg4: memref<10240x128xf32, #tpu.memory_space<hbm>>, %arg5: memref<327680xi32, #tpu.memory_space<hbm>>, %arg6: memref<327680xi32, #tpu.memory_space<hbm>>, %arg7: memref<10240x128xf32, #tpu.memory_space<hbm>>, %arg8: memref<2x10240x128xf32, #tpu.memory_space<hbm>>, %arg9: memref<327680x128xf32, #tpu.memory_space<hbm>>, %arg10: memref<327680x128xf32, #tpu.memory_space<hbm>>, %arg11: memref<128xi32, #tpu.memory_space<vmem>>, %arg12: memref<128xi32, #tpu.memory_space<vmem>>, %arg13: memref<128x128xf32, #tpu.memory_space<vmem>>, %arg14: memref<128x128xf32, #tpu.memory_space<vmem>>, %arg15: memref<10240x128xf32, #tpu.memory_space<vmem_shared>>, %arg16: memref<!tpu.dma_semaphore, #tpu.memory_space<semaphore_mem>>) attributes {dimension_semantics = [#tpu.dimension_semantics<core_parallel>, #tpu.dimension_semantics<subcore_parallel>], iteration_bounds = array<i64: 2, 16>, scalar_prefetch = 0 : i64, scratch_operands = 6 : i64, tpu.core_type = #tpu.core_type<sc_vector_subcore>, window_params = [{transform_indices = #map}, {transform_indices = #map}, {transform_indices = #map}, {transform_indices = #map1}, {transform_indices = #map1}, {transform_indices = #map}, {transform_indices = #map2}, {transform_indices = #map}, {transform_indices = #map}]} {
    %mul3A = arith.constant 2 : i32
    %mul3A_0 = arith.muli %arg1, %mul3A : i32
    %add3A = arith.addi %mul3A_0, %arg0 : i32
    %mul3A_1 = arith.constant 640 : i32
    %mul3A_2 = arith.muli %arg1, %mul3A_1 : i32
    "tpu.region"() ({
      %run_scoped3A = tpu.sem_alloc : memref<!tpu.dma_semaphore, #tpu.memory_space<semaphore_mem>>
      %dma_start3A = arith.constant 0 : i32
      %dma_start3A_11 = tpu.memref_slice %arg15[%mul3A_2, %dma_start3A] : memref<10240x128xf32, #tpu.memory_space<vmem_shared>> -> memref<640x128xf32, #tpu.memory_space<vmem_shared>>
      %dma_start3A_12 = arith.constant 0 : i32
      %dma_start3A_13 = tpu.memref_slice %arg7[%mul3A_2, %dma_start3A_12] : memref<10240x128xf32, #tpu.memory_space<hbm>> -> memref<640x128xf32, #tpu.memory_space<hbm>>
      tpu.enqueue_dma source(%dma_start3A_13 : memref<640x128xf32, #tpu.memory_space<hbm>>) target(%dma_start3A_11 : memref<640x128xf32, #tpu.memory_space<vmem_shared>>) target_semaphore(%run_scoped3A : memref<!tpu.dma_semaphore, #tpu.memory_space<semaphore_mem>>)
      %dma_wait3A = arith.constant 0 : i32
      %dma_wait3A_14 = tpu.memref_slice %arg15[%mul3A_2, %dma_wait3A] : memref<10240x128xf32, #tpu.memory_space<vmem_shared>> -> memref<640x128xf32, #tpu.memory_space<vmem_shared>>
      %dma_wait3A_15 = arith.constant 0 : i32
      %dma_wait3A_16 = tpu.memref_slice %arg7[%mul3A_2, %dma_wait3A_15] : memref<10240x128xf32, #tpu.memory_space<hbm>> -> memref<640x128xf32, #tpu.memory_space<hbm>>
      tpu.wait_dma2 semaphore(%run_scoped3A : memref<!tpu.dma_semaphore, #tpu.memory_space<semaphore_mem>>) src(%dma_wait3A_16 : memref<640x128xf32, #tpu.memory_space<hbm>>) dst(%dma_wait3A_14 : memref<640x128xf32, #tpu.memory_space<vmem_shared>>)
      tpu.yield
    }) : () -> ()
    %barrier3A = arith.constant 0 : index
    tpu.barrier barrier_id(%barrier3A)
    %mul3A_3 = arith.constant 10240 : i32
    %mul3A_4 = arith.muli %add3A, %mul3A_3 : i32
    %scan3A = arith.constant 0 : i32
    %scan3A_5 = arith.constant 0 : i32
    %scan3A_6 = arith.constant 80 : i32
    %scan3A_7 = arith.addi %scan3A_5, %scan3A_6 : i32
    %scan3A_8 = arith.constant 1 : i32
    scf.for %scan3A_11 = %scan3A_5 to %scan3A_7 step %scan3A_8  : i32 {
      %mul3A_12 = arith.constant 128 : i32
      %mul3A_13 = arith.muli %scan3A_11, %mul3A_12 : i32
      %add3A_14 = arith.addi %mul3A_4, %mul3A_13 : i32
      "tpu.region"() ({
        %run_scoped3A = tpu.sem_alloc : memref<!tpu.dma_semaphore, #tpu.memory_space<semaphore_mem>>
        %dma_start3A_31 = tpu.memref_slice %arg5[%add3A_14] : memref<327680xi32, #tpu.memory_space<hbm>> -> memref<128xi32, #tpu.memory_space<hbm>>
        %dma_start3A_32 = tpu.memref_slice %arg5[%add3A_14] : memref<327680xi32, #tpu.memory_space<hbm>> -> memref<128xi32, #tpu.memory_space<hbm>>
        tpu.enqueue_dma source(%dma_start3A_32 : memref<128xi32, #tpu.memory_space<hbm>>) target(%arg11 : memref<128xi32, #tpu.memory_space<vmem>>) target_semaphore(%run_scoped3A : memref<!tpu.dma_semaphore, #tpu.memory_space<semaphore_mem>>)
        %dma_wait3A_33 = tpu.memref_slice %arg5[%add3A_14] : memref<327680xi32, #tpu.memory_space<hbm>> -> memref<128xi32, #tpu.memory_space<hbm>>
        %dma_wait3A_34 = tpu.memref_slice %arg5[%add3A_14] : memref<327680xi32, #tpu.memory_space<hbm>> -> memref<128xi32, #tpu.memory_space<hbm>>
        tpu.wait_dma2 semaphore(%run_scoped3A : memref<!tpu.dma_semaphore, #tpu.memory_space<semaphore_mem>>) src(%dma_wait3A_34 : memref<128xi32, #tpu.memory_space<hbm>>) dst(%arg11 : memref<128xi32, #tpu.memory_space<vmem>>)
        tpu.yield
      }) : () -> ()
      "tpu.region"() ({
        %run_scoped3A = tpu.sem_alloc : memref<!tpu.dma_semaphore, #tpu.memory_space<semaphore_mem>>
        %dma_start3A_31 = tpu.memref_slice %arg6[%add3A_14] : memref<327680xi32, #tpu.memory_space<hbm>> -> memref<128xi32, #tpu.memory_space<hbm>>
        %dma_start3A_32 = tpu.memref_slice %arg6[%add3A_14] : memref<327680xi32, #tpu.memory_space<hbm>> -> memref<128xi32, #tpu.memory_space<hbm>>
        tpu.enqueue_dma source(%dma_start3A_32 : memref<128xi32, #tpu.memory_space<hbm>>) target(%arg12 : memref<128xi32, #tpu.memory_space<vmem>>) target_semaphore(%run_scoped3A : memref<!tpu.dma_semaphore, #tpu.memory_space<semaphore_mem>>)
        %dma_wait3A_33 = tpu.memref_slice %arg6[%add3A_14] : memref<327680xi32, #tpu.memory_space<hbm>> -> memref<128xi32, #tpu.memory_space<hbm>>
        %dma_wait3A_34 = tpu.memref_slice %arg6[%add3A_14] : memref<327680xi32, #tpu.memory_space<hbm>> -> memref<128xi32, #tpu.memory_space<hbm>>
        tpu.wait_dma2 semaphore(%run_scoped3A : memref<!tpu.dma_semaphore, #tpu.memory_space<semaphore_mem>>) src(%dma_wait3A_34 : memref<128xi32, #tpu.memory_space<hbm>>) dst(%arg12 : memref<128xi32, #tpu.memory_space<vmem>>)
        tpu.yield
      }) : () -> ()
      %dma_start3A = arith.constant 0 : i32
      %dma_start3A_15 = arith.constant 0 : i32
      %dma_start3A_16 = tpu.memref_slice %arg2[%dma_start3A, %dma_start3A_15] : memref<10240x128xf32, #tpu.memory_space<hbm>> -> memref<10240x128xf32, #tpu.memory_space<hbm>>
      tpu.enqueue_indirect_dma source(%dma_start3A_16 : memref<10240x128xf32, #tpu.memory_space<hbm>>) target(%arg13 : memref<128x128xf32, #tpu.memory_space<vmem>>) offsets(%arg11 : memref<128xi32, #tpu.memory_space<vmem>>) semaphore(%arg16 : memref<!tpu.dma_semaphore, #tpu.memory_space<semaphore_mem>>)
      %dma_start3A_17 = arith.constant 0 : i32
      %dma_start3A_18 = arith.constant 0 : i32
      %dma_start3A_19 = tpu.memref_slice %arg3[%dma_start3A_17, %dma_start3A_18] : memref<10240x128xf32, #tpu.memory_space<hbm>> -> memref<10240x128xf32, #tpu.memory_space<hbm>>
      tpu.enqueue_indirect_dma source(%dma_start3A_19 : memref<10240x128xf32, #tpu.memory_space<hbm>>) target(%arg14 : memref<128x128xf32, #tpu.memory_space<vmem>>) offsets(%arg12 : memref<128xi32, #tpu.memory_space<vmem>>) semaphore(%arg16 : memref<!tpu.dma_semaphore, #tpu.memory_space<semaphore_mem>>)
      %dma_wait3A = arith.constant 0 : i32
      %dma_wait3A_20 = arith.constant 0 : i32
      %dma_wait3A_21 = tpu.memref_slice %arg3[%dma_wait3A, %dma_wait3A_20] : memref<10240x128xf32, #tpu.memory_space<hbm>> -> memref<10240x128xf32, #tpu.memory_space<hbm>>
      tpu.wait_indirect_dma semaphore(%arg16 : memref<!tpu.dma_semaphore, #tpu.memory_space<semaphore_mem>>) src(%dma_wait3A_21 : memref<10240x128xf32, #tpu.memory_space<hbm>>) dst(%arg14 : memref<128x128xf32, #tpu.memory_space<vmem>>)
      "tpu.region"() ({
        %run_scoped3A = tpu.sem_alloc : memref<!tpu.dma_semaphore, #tpu.memory_space<semaphore_mem>>
        %dma_start3A_31 = arith.constant 0 : i32
        %dma_start3A_32 = tpu.memref_slice %arg9[%add3A_14, %dma_start3A_31] : memref<327680x128xf32, #tpu.memory_space<hbm>> -> memref<128x128xf32, #tpu.memory_space<hbm>>
        %dma_start3A_33 = arith.constant 0 : i32
        %dma_start3A_34 = tpu.memref_slice %arg9[%add3A_14, %dma_start3A_33] : memref<327680x128xf32, #tpu.memory_space<hbm>> -> memref<128x128xf32, #tpu.memory_space<hbm>>
        tpu.enqueue_dma source(%arg14 : memref<128x128xf32, #tpu.memory_space<vmem>>) target(%dma_start3A_34 : memref<128x128xf32, #tpu.memory_space<hbm>>) target_semaphore(%run_scoped3A : memref<!tpu.dma_semaphore, #tpu.memory_space<semaphore_mem>>)
        %dma_wait3A_35 = arith.constant 0 : i32
        %dma_wait3A_36 = tpu.memref_slice %arg9[%add3A_14, %dma_wait3A_35] : memref<327680x128xf32, #tpu.memory_space<hbm>> -> memref<128x128xf32, #tpu.memory_space<hbm>>
        %dma_wait3A_37 = arith.constant 0 : i32
        %dma_wait3A_38 = tpu.memref_slice %arg9[%add3A_14, %dma_wait3A_37] : memref<327680x128xf32, #tpu.memory_space<hbm>> -> memref<128x128xf32, #tpu.memory_space<hbm>>
        tpu.wait_dma2 semaphore(%run_scoped3A : memref<!tpu.dma_semaphore, #tpu.memory_space<semaphore_mem>>) src(%arg14 : memref<128x128xf32, #tpu.memory_space<vmem>>) dst(%dma_wait3A_38 : memref<128x128xf32, #tpu.memory_space<hbm>>)
        tpu.yield
      }) : () -> ()
      %dma_start3A_22 = arith.constant 0 : i32
      %dma_start3A_23 = arith.constant 0 : i32
      %dma_start3A_24 = tpu.memref_slice %arg4[%dma_start3A_22, %dma_start3A_23] : memref<10240x128xf32, #tpu.memory_space<hbm>> -> memref<10240x128xf32, #tpu.memory_space<hbm>>
      tpu.enqueue_indirect_dma source(%dma_start3A_24 : memref<10240x128xf32, #tpu.memory_space<hbm>>) target(%arg14 : memref<128x128xf32, #tpu.memory_space<vmem>>) offsets(%arg11 : memref<128xi32, #tpu.memory_space<vmem>>) semaphore(%arg16 : memref<!tpu.dma_semaphore, #tpu.memory_space<semaphore_mem>>)
      %dma_wait3A_25 = arith.constant 0 : i32
      %dma_wait3A_26 = arith.constant 0 : i32
      %dma_wait3A_27 = tpu.memref_slice %arg4[%dma_wait3A_25, %dma_wait3A_26] : memref<10240x128xf32, #tpu.memory_space<hbm>> -> memref<10240x128xf32, #tpu.memory_space<hbm>>
      tpu.wait_indirect_dma semaphore(%arg16 : memref<!tpu.dma_semaphore, #tpu.memory_space<semaphore_mem>>) src(%dma_wait3A_27 : memref<10240x128xf32, #tpu.memory_space<hbm>>) dst(%arg14 : memref<128x128xf32, #tpu.memory_space<vmem>>)
      "tpu.region"() ({
        %run_scoped3A = tpu.sem_alloc : memref<!tpu.dma_semaphore, #tpu.memory_space<semaphore_mem>>
        %dma_start3A_31 = arith.constant 0 : i32
        %dma_start3A_32 = tpu.memref_slice %arg10[%add3A_14, %dma_start3A_31] : memref<327680x128xf32, #tpu.memory_space<hbm>> -> memref<128x128xf32, #tpu.memory_space<hbm>>
        %dma_start3A_33 = arith.constant 0 : i32
        %dma_start3A_34 = tpu.memref_slice %arg10[%add3A_14, %dma_start3A_33] : memref<327680x128xf32, #tpu.memory_space<hbm>> -> memref<128x128xf32, #tpu.memory_space<hbm>>
        tpu.enqueue_dma source(%arg14 : memref<128x128xf32, #tpu.memory_space<vmem>>) target(%dma_start3A_34 : memref<128x128xf32, #tpu.memory_space<hbm>>) target_semaphore(%run_scoped3A : memref<!tpu.dma_semaphore, #tpu.memory_space<semaphore_mem>>)
        %dma_wait3A_35 = arith.constant 0 : i32
        %dma_wait3A_36 = tpu.memref_slice %arg10[%add3A_14, %dma_wait3A_35] : memref<327680x128xf32, #tpu.memory_space<hbm>> -> memref<128x128xf32, #tpu.memory_space<hbm>>
        %dma_wait3A_37 = arith.constant 0 : i32
        %dma_wait3A_38 = tpu.memref_slice %arg10[%add3A_14, %dma_wait3A_37] : memref<327680x128xf32, #tpu.memory_space<hbm>> -> memref<128x128xf32, #tpu.memory_space<hbm>>
        tpu.wait_dma2 semaphore(%run_scoped3A : memref<!tpu.dma_semaphore, #tpu.memory_space<semaphore_mem>>) src(%arg14 : memref<128x128xf32, #tpu.memory_space<vmem>>) dst(%dma_wait3A_38 : memref<128x128xf32, #tpu.memory_space<hbm>>)
        tpu.yield
      }) : () -> ()
      %dma_wait3A_28 = arith.constant 0 : i32
      %dma_wait3A_29 = arith.constant 0 : i32
      %dma_wait3A_30 = tpu.memref_slice %arg2[%dma_wait3A_28, %dma_wait3A_29] : memref<10240x128xf32, #tpu.memory_space<hbm>> -> memref<10240x128xf32, #tpu.memory_space<hbm>>
      tpu.wait_indirect_dma semaphore(%arg16 : memref<!tpu.dma_semaphore, #tpu.memory_space<semaphore_mem>>) src(%dma_wait3A_30 : memref<10240x128xf32, #tpu.memory_space<hbm>>) dst(%arg13 : memref<128x128xf32, #tpu.memory_space<vmem>>)
      "tpu.region"() ({
        %run_scoped3A = tpu.sem_alloc : memref<!tpu.dma_semaphore, #tpu.memory_space<semaphore_mem>>
        %dma_start3A_31 = arith.constant 0 : i32
        %dma_start3A_32 = arith.constant 0 : i32
        %dma_start3A_33 = tpu.memref_slice %arg15[%dma_start3A_31, %dma_start3A_32] : memref<10240x128xf32, #tpu.memory_space<vmem_shared>> -> memref<10240x128xf32, #tpu.memory_space<vmem_shared>>
        tpu.enqueue_indirect_dma source(%arg13 : memref<128x128xf32, #tpu.memory_space<vmem>>) target(%dma_start3A_33 : memref<10240x128xf32, #tpu.memory_space<vmem_shared>>) offsets(%arg12 : memref<128xi32, #tpu.memory_space<vmem>>) semaphore(%run_scoped3A : memref<!tpu.dma_semaphore, #tpu.memory_space<semaphore_mem>>) {add = true}
        %dma_wait3A_34 = arith.constant 0 : i32
        %dma_wait3A_35 = arith.constant 0 : i32
        %dma_wait3A_36 = tpu.memref_slice %arg15[%dma_wait3A_34, %dma_wait3A_35] : memref<10240x128xf32, #tpu.memory_space<vmem_shared>> -> memref<10240x128xf32, #tpu.memory_space<vmem_shared>>
        tpu.wait_indirect_dma semaphore(%run_scoped3A : memref<!tpu.dma_semaphore, #tpu.memory_space<semaphore_mem>>) src(%arg13 : memref<128x128xf32, #tpu.memory_space<vmem>>) dst(%dma_wait3A_36 : memref<10240x128xf32, #tpu.memory_space<vmem_shared>>)
        tpu.yield
      }) : () -> ()
    }
    %scan3A_9 = arith.constant 80 : i32
    %barrier3A_10 = arith.constant 0 : index
    tpu.barrier barrier_id(%barrier3A_10)
    "tpu.region"() ({
      %run_scoped3A = tpu.sem_alloc : memref<!tpu.dma_semaphore, #tpu.memory_space<semaphore_mem>>
      %dma_start3A = arith.constant 0 : i32
      %dma_start3A_11 = tpu.memref_slice %arg8[%arg0, %mul3A_2, %dma_start3A] : memref<2x10240x128xf32, #tpu.memory_space<hbm>> -> memref<1x640x128xf32, #tpu.memory_space<hbm>>
      %dma_start3A_12 = tpu.memref_squeeze %dma_start3A_11 : memref<1x640x128xf32, #tpu.memory_space<hbm>> -> memref<640x128xf32, #tpu.memory_space<hbm>>
      %dma_start3A_13 = arith.constant 0 : i32
      %dma_start3A_14 = tpu.memref_slice %arg15[%mul3A_2, %dma_start3A_13] : memref<10240x128xf32, #tpu.memory_space<vmem_shared>> -> memref<640x128xf32, #tpu.memory_space<vmem_shared>>
      tpu.enqueue_dma source(%dma_start3A_14 : memref<640x128xf32, #tpu.memory_space<vmem_shared>>) target(%dma_start3A_12 : memref<640x128xf32, #tpu.memory_space<hbm>>) target_semaphore(%run_scoped3A : memref<!tpu.dma_semaphore, #tpu.memory_space<semaphore_mem>>)
      %dma_wait3A = arith.constant 0 : i32
      %dma_wait3A_15 = tpu.memref_slice %arg8[%arg0, %mul3A_2, %dma_wait3A] : memref<2x10240x128xf32, #tpu.memory_space<hbm>> -> memref<1x640x128xf32, #tpu.memory_space<hbm>>
      %dma_wait3A_16 = tpu.memref_squeeze %dma_wait3A_15 : memref<1x640x128xf32, #tpu.memory_space<hbm>> -> memref<640x128xf32, #tpu.memory_space<hbm>>
      %dma_wait3A_17 = arith.constant 0 : i32
      %dma_wait3A_18 = tpu.memref_slice %arg15[%mul3A_2, %dma_wait3A_17] : memref<10240x128xf32, #tpu.memory_space<vmem_shared>> -> memref<640x128xf32, #tpu.memory_space<vmem_shared>>
      tpu.wait_dma2 semaphore(%run_scoped3A : memref<!tpu.dma_semaphore, #tpu.memory_space<semaphore_mem>>) src(%dma_wait3A_18 : memref<640x128xf32, #tpu.memory_space<vmem_shared>>) dst(%dma_wait3A_16 : memref<640x128xf32, #tpu.memory_space<hbm>>)
      tpu.yield
    }) : () -> ()
    return
  }
}

#map = affine_map<(d0, d1) -> (0, 0)>
#map1 = affine_map<(d0, d1) -> (0)>
#map2 = affine_map<(d0, d1) -> (0, 0, 0)>
module attributes {stable_mosaic.version = 14 : i64} {
  func.func @_sc_p3b(%arg0: i32, %arg1: i32, %arg2: memref<327680x128xf32, #tpu.memory_space<hbm>>, %arg3: memref<327680xi32, #tpu.memory_space<hbm>>, %arg4: memref<10240x128xf32, #tpu.memory_space<hbm>>, %arg5: memref<2x10240x128xf32, #tpu.memory_space<hbm>>, %arg6: memref<128xi32, #tpu.memory_space<vmem>>, %arg7: memref<128x128xf32, #tpu.memory_space<vmem>>, %arg8: memref<10240x128xf32, #tpu.memory_space<vmem_shared>>) attributes {dimension_semantics = [#tpu.dimension_semantics<core_parallel>, #tpu.dimension_semantics<subcore_parallel>], iteration_bounds = array<i64: 2, 16>, scalar_prefetch = 0 : i64, scratch_operands = 3 : i64, tpu.core_type = #tpu.core_type<sc_vector_subcore>, window_params = [{transform_indices = #map}, {transform_indices = #map1}, {transform_indices = #map}, {transform_indices = #map2}]} {
    %mul3A = arith.constant 2 : i32
    %mul3A_0 = arith.muli %arg1, %mul3A : i32
    %add3A = arith.addi %mul3A_0, %arg0 : i32
    %mul3A_1 = arith.constant 640 : i32
    %mul3A_2 = arith.muli %arg1, %mul3A_1 : i32
    "tpu.region"() ({
      %run_scoped3A = tpu.sem_alloc : memref<!tpu.dma_semaphore, #tpu.memory_space<semaphore_mem>>
      %dma_start3A = arith.constant 0 : i32
      %dma_start3A_11 = tpu.memref_slice %arg8[%mul3A_2, %dma_start3A] : memref<10240x128xf32, #tpu.memory_space<vmem_shared>> -> memref<640x128xf32, #tpu.memory_space<vmem_shared>>
      %dma_start3A_12 = arith.constant 0 : i32
      %dma_start3A_13 = tpu.memref_slice %arg4[%mul3A_2, %dma_start3A_12] : memref<10240x128xf32, #tpu.memory_space<hbm>> -> memref<640x128xf32, #tpu.memory_space<hbm>>
      tpu.enqueue_dma source(%dma_start3A_13 : memref<640x128xf32, #tpu.memory_space<hbm>>) target(%dma_start3A_11 : memref<640x128xf32, #tpu.memory_space<vmem_shared>>) target_semaphore(%run_scoped3A : memref<!tpu.dma_semaphore, #tpu.memory_space<semaphore_mem>>)
      %dma_wait3A = arith.constant 0 : i32
      %dma_wait3A_14 = tpu.memref_slice %arg8[%mul3A_2, %dma_wait3A] : memref<10240x128xf32, #tpu.memory_space<vmem_shared>> -> memref<640x128xf32, #tpu.memory_space<vmem_shared>>
      %dma_wait3A_15 = arith.constant 0 : i32
      %dma_wait3A_16 = tpu.memref_slice %arg4[%mul3A_2, %dma_wait3A_15] : memref<10240x128xf32, #tpu.memory_space<hbm>> -> memref<640x128xf32, #tpu.memory_space<hbm>>
      tpu.wait_dma2 semaphore(%run_scoped3A : memref<!tpu.dma_semaphore, #tpu.memory_space<semaphore_mem>>) src(%dma_wait3A_16 : memref<640x128xf32, #tpu.memory_space<hbm>>) dst(%dma_wait3A_14 : memref<640x128xf32, #tpu.memory_space<vmem_shared>>)
      tpu.yield
    }) : () -> ()
    %barrier3A = arith.constant 0 : index
    tpu.barrier barrier_id(%barrier3A)
    %mul3A_3 = arith.constant 10240 : i32
    %mul3A_4 = arith.muli %add3A, %mul3A_3 : i32
    %scan3A = arith.constant 0 : i32
    %scan3A_5 = arith.constant 0 : i32
    %scan3A_6 = arith.constant 80 : i32
    %scan3A_7 = arith.addi %scan3A_5, %scan3A_6 : i32
    %scan3A_8 = arith.constant 1 : i32
    scf.for %scan3A_11 = %scan3A_5 to %scan3A_7 step %scan3A_8  : i32 {
      %mul3A_12 = arith.constant 128 : i32
      %mul3A_13 = arith.muli %scan3A_11, %mul3A_12 : i32
      %add3A_14 = arith.addi %mul3A_4, %mul3A_13 : i32
      "tpu.region"() ({
        %run_scoped3A = tpu.sem_alloc : memref<!tpu.dma_semaphore, #tpu.memory_space<semaphore_mem>>
        %dma_start3A = tpu.memref_slice %arg3[%add3A_14] : memref<327680xi32, #tpu.memory_space<hbm>> -> memref<128xi32, #tpu.memory_space<hbm>>
        %dma_start3A_15 = tpu.memref_slice %arg3[%add3A_14] : memref<327680xi32, #tpu.memory_space<hbm>> -> memref<128xi32, #tpu.memory_space<hbm>>
        tpu.enqueue_dma source(%dma_start3A_15 : memref<128xi32, #tpu.memory_space<hbm>>) target(%arg6 : memref<128xi32, #tpu.memory_space<vmem>>) target_semaphore(%run_scoped3A : memref<!tpu.dma_semaphore, #tpu.memory_space<semaphore_mem>>)
        %dma_wait3A = tpu.memref_slice %arg3[%add3A_14] : memref<327680xi32, #tpu.memory_space<hbm>> -> memref<128xi32, #tpu.memory_space<hbm>>
        %dma_wait3A_16 = tpu.memref_slice %arg3[%add3A_14] : memref<327680xi32, #tpu.memory_space<hbm>> -> memref<128xi32, #tpu.memory_space<hbm>>
        tpu.wait_dma2 semaphore(%run_scoped3A : memref<!tpu.dma_semaphore, #tpu.memory_space<semaphore_mem>>) src(%dma_wait3A_16 : memref<128xi32, #tpu.memory_space<hbm>>) dst(%arg6 : memref<128xi32, #tpu.memory_space<vmem>>)
        tpu.yield
      }) : () -> ()
      "tpu.region"() ({
        %run_scoped3A = tpu.sem_alloc : memref<!tpu.dma_semaphore, #tpu.memory_space<semaphore_mem>>
        %dma_start3A = arith.constant 0 : i32
        %dma_start3A_15 = tpu.memref_slice %arg2[%add3A_14, %dma_start3A] : memref<327680x128xf32, #tpu.memory_space<hbm>> -> memref<128x128xf32, #tpu.memory_space<hbm>>
        %dma_start3A_16 = arith.constant 0 : i32
        %dma_start3A_17 = tpu.memref_slice %arg2[%add3A_14, %dma_start3A_16] : memref<327680x128xf32, #tpu.memory_space<hbm>> -> memref<128x128xf32, #tpu.memory_space<hbm>>
        tpu.enqueue_dma source(%dma_start3A_17 : memref<128x128xf32, #tpu.memory_space<hbm>>) target(%arg7 : memref<128x128xf32, #tpu.memory_space<vmem>>) target_semaphore(%run_scoped3A : memref<!tpu.dma_semaphore, #tpu.memory_space<semaphore_mem>>)
        %dma_wait3A = arith.constant 0 : i32
        %dma_wait3A_18 = tpu.memref_slice %arg2[%add3A_14, %dma_wait3A] : memref<327680x128xf32, #tpu.memory_space<hbm>> -> memref<128x128xf32, #tpu.memory_space<hbm>>
        %dma_wait3A_19 = arith.constant 0 : i32
        %dma_wait3A_20 = tpu.memref_slice %arg2[%add3A_14, %dma_wait3A_19] : memref<327680x128xf32, #tpu.memory_space<hbm>> -> memref<128x128xf32, #tpu.memory_space<hbm>>
        tpu.wait_dma2 semaphore(%run_scoped3A : memref<!tpu.dma_semaphore, #tpu.memory_space<semaphore_mem>>) src(%dma_wait3A_20 : memref<128x128xf32, #tpu.memory_space<hbm>>) dst(%arg7 : memref<128x128xf32, #tpu.memory_space<vmem>>)
        tpu.yield
      }) : () -> ()
      "tpu.region"() ({
        %run_scoped3A = tpu.sem_alloc : memref<!tpu.dma_semaphore, #tpu.memory_space<semaphore_mem>>
        %dma_start3A = arith.constant 0 : i32
        %dma_start3A_15 = arith.constant 0 : i32
        %dma_start3A_16 = tpu.memref_slice %arg8[%dma_start3A, %dma_start3A_15] : memref<10240x128xf32, #tpu.memory_space<vmem_shared>> -> memref<10240x128xf32, #tpu.memory_space<vmem_shared>>
        tpu.enqueue_indirect_dma source(%arg7 : memref<128x128xf32, #tpu.memory_space<vmem>>) target(%dma_start3A_16 : memref<10240x128xf32, #tpu.memory_space<vmem_shared>>) offsets(%arg6 : memref<128xi32, #tpu.memory_space<vmem>>) semaphore(%run_scoped3A : memref<!tpu.dma_semaphore, #tpu.memory_space<semaphore_mem>>) {add = true}
        %dma_wait3A = arith.constant 0 : i32
        %dma_wait3A_17 = arith.constant 0 : i32
        %dma_wait3A_18 = tpu.memref_slice %arg8[%dma_wait3A, %dma_wait3A_17] : memref<10240x128xf32, #tpu.memory_space<vmem_shared>> -> memref<10240x128xf32, #tpu.memory_space<vmem_shared>>
        tpu.wait_indirect_dma semaphore(%run_scoped3A : memref<!tpu.dma_semaphore, #tpu.memory_space<semaphore_mem>>) src(%arg7 : memref<128x128xf32, #tpu.memory_space<vmem>>) dst(%dma_wait3A_18 : memref<10240x128xf32, #tpu.memory_space<vmem_shared>>)
        tpu.yield
      }) : () -> ()
    }
    %scan3A_9 = arith.constant 80 : i32
    %barrier3A_10 = arith.constant 0 : index
    tpu.barrier barrier_id(%barrier3A_10)
    "tpu.region"() ({
      %run_scoped3A = tpu.sem_alloc : memref<!tpu.dma_semaphore, #tpu.memory_space<semaphore_mem>>
      %dma_start3A = arith.constant 0 : i32
      %dma_start3A_11 = tpu.memref_slice %arg5[%arg0, %mul3A_2, %dma_start3A] : memref<2x10240x128xf32, #tpu.memory_space<hbm>> -> memref<1x640x128xf32, #tpu.memory_space<hbm>>
      %dma_start3A_12 = tpu.memref_squeeze %dma_start3A_11 : memref<1x640x128xf32, #tpu.memory_space<hbm>> -> memref<640x128xf32, #tpu.memory_space<hbm>>
      %dma_start3A_13 = arith.constant 0 : i32
      %dma_start3A_14 = tpu.memref_slice %arg8[%mul3A_2, %dma_start3A_13] : memref<10240x128xf32, #tpu.memory_space<vmem_shared>> -> memref<640x128xf32, #tpu.memory_space<vmem_shared>>
      tpu.enqueue_dma source(%dma_start3A_14 : memref<640x128xf32, #tpu.memory_space<vmem_shared>>) target(%dma_start3A_12 : memref<640x128xf32, #tpu.memory_space<hbm>>) target_semaphore(%run_scoped3A : memref<!tpu.dma_semaphore, #tpu.memory_space<semaphore_mem>>)
      %dma_wait3A = arith.constant 0 : i32
      %dma_wait3A_15 = tpu.memref_slice %arg5[%arg0, %mul3A_2, %dma_wait3A] : memref<2x10240x128xf32, #tpu.memory_space<hbm>> -> memref<1x640x128xf32, #tpu.memory_space<hbm>>
      %dma_wait3A_16 = tpu.memref_squeeze %dma_wait3A_15 : memref<1x640x128xf32, #tpu.memory_space<hbm>> -> memref<640x128xf32, #tpu.memory_space<hbm>>
      %dma_wait3A_17 = arith.constant 0 : i32
      %dma_wait3A_18 = tpu.memref_slice %arg8[%mul3A_2, %dma_wait3A_17] : memref<10240x128xf32, #tpu.memory_space<vmem_shared>> -> memref<640x128xf32, #tpu.memory_space<vmem_shared>>
      tpu.wait_dma2 semaphore(%run_scoped3A : memref<!tpu.dma_semaphore, #tpu.memory_space<semaphore_mem>>) src(%dma_wait3A_18 : memref<640x128xf32, #tpu.memory_space<vmem_shared>>) dst(%dma_wait3A_16 : memref<640x128xf32, #tpu.memory_space<hbm>>)
      tpu.yield
    }) : () -> ()
    return
  }
}

module attributes {stable_mosaic.version = 14 : i64} {
  func.func @_tc_const_body(%arg0: memref<10240x128xf32, #tpu.memory_space<vmem>>, %arg1: memref<10240x16xf32, #tpu.memory_space<vmem>>, %arg2: memref<128x16xf32, #tpu.memory_space<vmem>>) attributes {dimension_semantics = [], scalar_prefetch = 0 : i64, scratch_operands = 0 : i64, tpu.core_type = #tpu.core_type<tc>} {
    %broadcast_in_dim3A = arith.constant 0.000000e+00 : f32
    %broadcast_in_dim3A_0 = vector.broadcast %broadcast_in_dim3A : f32 to vector<10240x128xf32>
    %swap3A = arith.constant 0 : index
    %swap3A_1 = arith.constant 0 : index
    %swap3A_2 = vector.load %arg0[%swap3A, %swap3A_1] : memref<10240x128xf32, #tpu.memory_space<vmem>>, vector<10240x128xf32>
    tpu.vector_store %arg0[%swap3A, %swap3A_1], %broadcast_in_dim3A_0 {strides = array<i32>} : memref<10240x128xf32, #tpu.memory_space<vmem>>, vector<10240x128xf32>,
    %broadcast_in_dim3A_3 = arith.constant 0.000000e+00 : f32
    %broadcast_in_dim3A_4 = vector.broadcast %broadcast_in_dim3A_3 : f32 to vector<10240x16xf32>
    %swap3A_5 = arith.constant 0 : index
    %swap3A_6 = arith.constant 0 : index
    %swap3A_7 = vector.load %arg1[%swap3A_5, %swap3A_6] : memref<10240x16xf32, #tpu.memory_space<vmem>>, vector<10240x16xf32>
    tpu.vector_store %arg1[%swap3A_5, %swap3A_6], %broadcast_in_dim3A_4 {strides = array<i32>} : memref<10240x16xf32, #tpu.memory_space<vmem>>, vector<10240x16xf32>,
    %broadcast_in_dim3A_8 = arith.constant 1.000000e+00 : f32
    %broadcast_in_dim3A_9 = vector.broadcast %broadcast_in_dim3A_8 : f32 to vector<128x16xf32>
    %swap3A_10 = arith.constant 0 : index
    %swap3A_11 = arith.constant 0 : index
    %swap3A_12 = vector.load %arg2[%swap3A_10, %swap3A_11] : memref<128x16xf32, #tpu.memory_space<vmem>>, vector<128x16xf32>
    tpu.vector_store %arg2[%swap3A_10, %swap3A_11], %broadcast_in_dim3A_9 {strides = array<i32>} : memref<128x16xf32, #tpu.memory_space<vmem>>, vector<128x16xf32>,
    return
  }
}

module attributes {stable_mosaic.version = 14 : i64} {
  func.func @_tc_qkv_body(%arg0: i32, %arg1: memref<256x128xf32, #tpu.memory_space<vmem>>, %arg2: memref<128x128xf32, #tpu.memory_space<vmem>>, %arg3: memref<1x128xf32, #tpu.memory_space<vmem>>, %arg4: memref<128x128xf32, #tpu.memory_space<vmem>>, %arg5: memref<1x128xf32, #tpu.memory_space<vmem>>, %arg6: memref<256x128xf32, #tpu.memory_space<vmem>>, %arg7: memref<256x128xf32, #tpu.memory_space<vmem>>) attributes {dimension_semantics = [#tpu.dimension_semantics<arbitrary>], iteration_bounds = array<i64: 40>, scalar_prefetch = 0 : i64, scratch_operands = 0 : i64, tpu.core_type = #tpu.core_type<tc>, window_params = [{transform_indices = @transform_0, window_bounds = array<i64: 256, 128>}, {pipeline_mode = #tpu.pipeline_mode<synchronous>, transform_indices = @transform_1, window_bounds = array<i64: 128, 128>}, {pipeline_mode = #tpu.pipeline_mode<synchronous>, transform_indices = @transform_2, window_bounds = array<i64: 1, 128>}, {pipeline_mode = #tpu.pipeline_mode<synchronous>, transform_indices = @transform_3, window_bounds = array<i64: 128, 128>}, {pipeline_mode = #tpu.pipeline_mode<synchronous>, transform_indices = @transform_4, window_bounds = array<i64: 1, 128>}, {transform_indices = @transform_5, window_bounds = array<i64: 256, 128>}, {transform_indices = @transform_6, window_bounds = array<i64: 256, 128>}]} {
    %get3A = arith.constant 0 : index
    %get3A_0 = arith.constant 0 : index
    %get3A_1 = vector.load %arg1[%get3A, %get3A_0] : memref<256x128xf32, #tpu.memory_space<vmem>>, vector<256x128xf32>
    %get3A_2 = arith.constant 0 : index
    %get3A_3 = arith.constant 0 : index
    %get3A_4 = vector.load %arg2[%get3A_2, %get3A_3] : memref<128x128xf32, #tpu.memory_space<vmem>>, vector<128x128xf32>
    %dot_general3A = arith.constant dense<0.000000e+00> : vector<256x128xf32>
    %dot_general3A_5 = tpu.matmul %get3A_1, %get3A_4, %dot_general3A {dimension_numbers = #tpu.dot_dimension_numbers<[1], [0], [0], [1], [0, 0, 1, 1], [], []>, transpose_lhs_hint = false} : vector<256x128xf32>, vector<128x128xf32>, vector<256x128xf32> -> vector<256x128xf32>
    %get3A_6 = arith.constant 0 : index
    %get3A_7 = arith.constant 0 : index
    %get3A_8 = vector.load %arg3[%get3A_6, %get3A_7] : memref<1x128xf32, #tpu.memory_space<vmem>>, vector<1x128xf32>
    %add3A = vector.broadcast %get3A_8 : vector<1x128xf32> to vector<256x128xf32>
    %add3A_9 = arith.addf %dot_general3A_5, %add3A : vector<256x128xf32>
    %swap3A = arith.constant 0 : index
    %swap3A_10 = arith.constant 0 : index
    %swap3A_11 = vector.load %arg6[%swap3A, %swap3A_10] : memref<256x128xf32, #tpu.memory_space<vmem>>, vector<256x128xf32>
    tpu.vector_store %arg6[%swap3A, %swap3A_10], %add3A_9 {strides = array<i32>} : memref<256x128xf32, #tpu.memory_space<vmem>>, vector<256x128xf32>,
    %get3A_12 = arith.constant 0 : index
    %get3A_13 = arith.constant 0 : index
    %get3A_14 = vector.load %arg4[%get3A_12, %get3A_13] : memref<128x128xf32, #tpu.memory_space<vmem>>, vector<128x128xf32>
    %dot_general3A_15 = arith.constant dense<0.000000e+00> : vector<256x128xf32>
    %dot_general3A_16 = tpu.matmul %get3A_1, %get3A_14, %dot_general3A_15 {dimension_numbers = #tpu.dot_dimension_numbers<[1], [0], [0], [1], [0, 0, 1, 1], [], []>, transpose_lhs_hint = false} : vector<256x128xf32>, vector<128x128xf32>, vector<256x128xf32> -> vector<256x128xf32>
    %get3A_17 = arith.constant 0 : index
    %get3A_18 = arith.constant 0 : index
    %get3A_19 = vector.load %arg5[%get3A_17, %get3A_18] : memref<1x128xf32, #tpu.memory_space<vmem>>, vector<1x128xf32>
    %add3A_20 = vector.broadcast %get3A_19 : vector<1x128xf32> to vector<256x128xf32>
    %add3A_21 = arith.addf %dot_general3A_16, %add3A_20 : vector<256x128xf32>
    %swap3A_22 = arith.constant 0 : index
    %swap3A_23 = arith.constant 0 : index
    %swap3A_24 = vector.load %arg7[%swap3A_22, %swap3A_23] : memref<256x128xf32, #tpu.memory_space<vmem>>, vector<256x128xf32>
    tpu.vector_store %arg7[%swap3A_22, %swap3A_23], %add3A_21 {strides = array<i32>} : memref<256x128xf32, #tpu.memory_space<vmem>>, vector<256x128xf32>,
    return
  }
  func.func @transform_0(%arg0: i32) -> (i32, i32) {
    %c0_i32 = arith.constant 0 : i32
    %c0_i32_0 = arith.constant 0 : i32
    return %arg0, %c0_i32 : i32, i32
  }
  func.func @transform_1(%arg0: i32) -> (i32, i32) {
    %c0_i32 = arith.constant 0 : i32
    %c0_i32_0 = arith.constant 0 : i32
    %c0_i32_1 = arith.constant 0 : i32
    return %c0_i32, %c0_i32_0 : i32, i32
  }
  func.func @transform_2(%arg0: i32) -> (i32, i32) {
    %c0_i32 = arith.constant 0 : i32
    %c0_i32_0 = arith.constant 0 : i32
    %c0_i32_1 = arith.constant 0 : i32
    return %c0_i32, %c0_i32_0 : i32, i32
  }
  func.func @transform_3(%arg0: i32) -> (i32, i32) {
    %c0_i32 = arith.constant 0 : i32
    %c0_i32_0 = arith.constant 0 : i32
    %c0_i32_1 = arith.constant 0 : i32
    return %c0_i32, %c0_i32_0 : i32, i32
  }
  func.func @transform_4(%arg0: i32) -> (i32, i32) {
    %c0_i32 = arith.constant 0 : i32
    %c0_i32_0 = arith.constant 0 : i32
    %c0_i32_1 = arith.constant 0 : i32
    return %c0_i32, %c0_i32_0 : i32, i32
  }
  func.func @transform_5(%arg0: i32) -> (i32, i32) {
    %c0_i32 = arith.constant 0 : i32
    %c0_i32_0 = arith.constant 0 : i32
    return %arg0, %c0_i32 : i32, i32
  }
  func.func @transform_6(%arg0: i32) -> (i32, i32) {
    %c0_i32 = arith.constant 0 : i32
    %c0_i32_0 = arith.constant 0 : i32
    return %arg0, %c0_i32 : i32, i32
  }
}

module attributes {stable_mosaic.version = 14 : i64} {
  func.func @_tc_g1_body(%arg0: i32, %arg1: memref<256x128xf32, #tpu.memory_space<vmem>>, %arg2: memref<8x256xf32, #tpu.memory_space<vmem>>, %arg3: memref<128x128xf32, #tpu.memory_space<vmem>>, %arg4: memref<256x128xf32, #tpu.memory_space<vmem>>) attributes {dimension_semantics = [#tpu.dimension_semantics<arbitrary>], iteration_bounds = array<i64: 40>, scalar_prefetch = 0 : i64, scratch_operands = 0 : i64, tpu.core_type = #tpu.core_type<tc>, window_params = [{transform_indices = @transform_0, window_bounds = array<i64: 256, 128>}, {transform_indices = @transform_1, window_bounds = array<i64: 8, 256>}, {pipeline_mode = #tpu.pipeline_mode<synchronous>, transform_indices = @transform_2, window_bounds = array<i64: 128, 128>}, {transform_indices = @transform_3, window_bounds = array<i64: 256, 128>}]} {
    %get3A = arith.constant 0 : index
    %get3A_0 = arith.constant 0 : index
    %get3A_1 = vector.load %arg1[%get3A, %get3A_0] : memref<256x128xf32, #tpu.memory_space<vmem>>, vector<256x128xf32>
    %get3A_2 = arith.constant 0 : index
    %get3A_3 = arith.constant 0 : index
    %get3A_4 = vector.load %arg2[%get3A_2, %get3A_3] : memref<8x256xf32, #tpu.memory_space<vmem>>, vector<8x256xf32>
    %slice3A = vector.extract_strided_slice %get3A_4 {offsets = [0, 0], sizes = [1, 256], strides = [1, 1]} : vector<8x256xf32> to vector<1x256xf32>
    %squeeze3A = vector.shape_cast %slice3A : vector<1x256xf32> to vector<256xf32>
    %slice3A_5 = vector.extract_strided_slice %get3A_4 {offsets = [2, 0], sizes = [1, 256], strides = [1, 1]} : vector<8x256xf32> to vector<1x256xf32>
    %squeeze3A_6 = vector.shape_cast %slice3A_5 : vector<1x256xf32> to vector<256xf32>
    %add3A = arith.addf %squeeze3A, %squeeze3A_6 : vector<256xf32>
    %gt3A = arith.constant 0.000000e+00 : f32
    %gt3A_7 = vector.broadcast %gt3A : f32 to vector<256xf32>
    %gt3A_8 = arith.cmpf ogt, %add3A, %gt3A_7 : vector<256xf32>
    %pow3A = arith.constant -5.000000e-01 : f32
    %pow3A_9 = vector.broadcast %pow3A : f32 to vector<256xf32>
    %pow3A_10 = math.powf %add3A, %pow3A_9 : vector<256xf32>
    %jit3A = arith.constant 0.000000e+00 : f32
    %broadcast_in_dim3A = vector.broadcast %jit3A : f32 to vector<256xf32>
    %select_n3A = arith.select %gt3A_8, %pow3A_10, %broadcast_in_dim3A : vector<256xi1>, vector<256xf32>
    %get3A_11 = arith.constant 0 : index
    %get3A_12 = arith.constant 0 : index
    %get3A_13 = vector.load %arg3[%get3A_11, %get3A_12] : memref<128x128xf32, #tpu.memory_space<vmem>>, vector<128x128xf32>
    %dot_general3A = arith.constant dense<0.000000e+00> : vector<256x128xf32>
    %dot_general3A_14 = tpu.matmul %get3A_1, %get3A_13, %dot_general3A {dimension_numbers = #tpu.dot_dimension_numbers<[1], [0], [0], [1], [0, 0, 1, 1], [], []>, transpose_lhs_hint = false} : vector<256x128xf32>, vector<128x128xf32>, vector<256x128xf32> -> vector<256x128xf32>
    %iota3A = tpu.iota {dimensions = array<i32: 1>} : vector<256x128xi32>
    %ge3A = arith.constant 42 : i32
    %ge3A_15 = vector.broadcast %ge3A : i32 to vector<256x128xi32>
    %ge3A_16 = arith.cmpi sge, %iota3A, %ge3A_15 : vector<256x128xi32>
    %lt3A = arith.constant 126 : i32
    %lt3A_17 = vector.broadcast %lt3A : i32 to vector<256x128xi32>
    %lt3A_18 = arith.cmpi slt, %iota3A, %lt3A_17 : vector<256x128xi32>
    %and3A = arith.andi %ge3A_16, %lt3A_18 : vector<256x128xi1>
    %broadcast_in_dim3A_19 = vector.shape_cast %select_n3A : vector<256xf32> to vector<256x1xf32>
    %jit3A_20 = arith.constant 1.000000e+00 : f32
    %broadcast_in_dim3A_21 = vector.shape_cast %broadcast_in_dim3A_19 : vector<256x1xf32> to vector<256x1xf32>
    %broadcast_in_dim3A_22 = vector.broadcast %broadcast_in_dim3A_21 : vector<256x1xf32> to vector<256x128xf32>
    %broadcast_in_dim3A_23 = vector.broadcast %jit3A_20 : f32 to vector<256x128xf32>
    %select_n3A_24 = arith.select %and3A, %broadcast_in_dim3A_22, %broadcast_in_dim3A_23 : vector<256x128xi1>, vector<256x128xf32>
    %mul3A = arith.mulf %dot_general3A_14, %select_n3A_24 : vector<256x128xf32>
    %swap3A = arith.constant 0 : index
    %swap3A_25 = arith.constant 0 : index
    %swap3A_26 = vector.load %arg4[%swap3A, %swap3A_25] : memref<256x128xf32, #tpu.memory_space<vmem>>, vector<256x128xf32>
    tpu.vector_store %arg4[%swap3A, %swap3A_25], %mul3A {strides = array<i32>} : memref<256x128xf32, #tpu.memory_space<vmem>>, vector<256x128xf32>,
    return
  }
  func.func @transform_0(%arg0: i32) -> (i32, i32) {
    %c0_i32 = arith.constant 0 : i32
    %c0_i32_0 = arith.constant 0 : i32
    return %arg0, %c0_i32 : i32, i32
  }
  func.func @transform_1(%arg0: i32) -> (i32, i32) {
    %c0_i32 = arith.constant 0 : i32
    %c0_i32_0 = arith.constant 0 : i32
    return %c0_i32, %arg0 : i32, i32
  }
  func.func @transform_2(%arg0: i32) -> (i32, i32) {
    %c0_i32 = arith.constant 0 : i32
    %c0_i32_0 = arith.constant 0 : i32
    %c0_i32_1 = arith.constant 0 : i32
    return %c0_i32, %c0_i32_0 : i32, i32
  }
  func.func @transform_3(%arg0: i32) -> (i32, i32) {
    %c0_i32 = arith.constant 0 : i32
    %c0_i32_0 = arith.constant 0 : i32
    return %arg0, %c0_i32 : i32, i32
  }
}

module attributes {stable_mosaic.version = 14 : i64} {
  func.func @_tc_edge_body(%arg0: i32, %arg1: memref<2048x128xf32, #tpu.memory_space<vmem>>, %arg2: memref<2048x128xf32, #tpu.memory_space<vmem>>, %arg3: memref<2048x128xf32, #tpu.memory_space<vmem>>) attributes {dimension_semantics = [#tpu.dimension_semantics<arbitrary>], iteration_bounds = array<i64: 160>, scalar_prefetch = 0 : i64, scratch_operands = 0 : i64, tpu.core_type = #tpu.core_type<tc>, window_params = [{transform_indices = @transform_0, window_bounds = array<i64: 2048, 128>}, {transform_indices = @transform_1, window_bounds = array<i64: 2048, 128>}, {transform_indices = @transform_2, window_bounds = array<i64: 2048, 128>}]} {
    %get3A = arith.constant 0 : index
    %get3A_0 = arith.constant 0 : index
    %get3A_1 = vector.load %arg1[%get3A, %get3A_0] : memref<2048x128xf32, #tpu.memory_space<vmem>>, vector<2048x128xf32>
    %get3A_2 = arith.constant 0 : index
    %get3A_3 = arith.constant 0 : index
    %get3A_4 = vector.load %arg2[%get3A_2, %get3A_3] : memref<2048x128xf32, #tpu.memory_space<vmem>>, vector<2048x128xf32>
    %mul3A = arith.mulf %get3A_1, %get3A_4 : vector<2048x128xf32>
    %reduce_sum3A = arith.constant dense<0.000000e+00> : vector<2048xf32>
    %reduce_sum3A_5 = vector.multi_reduction <add>, %mul3A, %reduce_sum3A [1] : vector<2048x128xf32> to vector<2048xf32>
    %broadcast_in_dim3A = vector.shape_cast %reduce_sum3A_5 : vector<2048xf32> to vector<2048x1xf32>
    %exp3A = math.exp %broadcast_in_dim3A : vector<2048x1xf32>
    %iota3A = tpu.iota {dimensions = array<i32: 1>} : vector<2048x128xi32>
    %slice3A = vector.extract_strided_slice %get3A_4 {offsets = [0, 48], sizes = [2048, 48], strides = [1, 1]} : vector<2048x128xf32> to vector<2048x48xf32>
    %broadcast_in_dim3A_6 = arith.constant 0.000000e+00 : f32
    %broadcast_in_dim3A_7 = vector.broadcast %broadcast_in_dim3A_6 : f32 to vector<2048x80xf32>
    %concatenate3A = tpu.concatenate %slice3A, %broadcast_in_dim3A_7 in 1 : vector<2048x48xf32>, vector<2048x80xf32> -> vector<2048x128xf32>
    %eq3A = arith.constant 42 : i32
    %eq3A_8 = vector.broadcast %eq3A : i32 to vector<2048x128xi32>
    %eq3A_9 = arith.cmpi eq, %iota3A, %eq3A_8 : vector<2048x128xi32>
    %convert_element_type3A = arith.extui %eq3A_9 : vector<2048x128xi1> to vector<2048x128xi32>
    %convert_element_type3A_10 = arith.sitofp %convert_element_type3A : vector<2048x128xi32> to vector<2048x128xf32>
    %add3A = arith.addf %concatenate3A, %convert_element_type3A_10 : vector<2048x128xf32>
    %mul3A_11 = vector.broadcast %exp3A : vector<2048x1xf32> to vector<2048x128xf32>
    %mul3A_12 = arith.mulf %mul3A_11, %add3A : vector<2048x128xf32>
    %swap3A = arith.constant 0 : index
    %swap3A_13 = arith.constant 0 : index
    %swap3A_14 = vector.load %arg3[%swap3A, %swap3A_13] : memref<2048x128xf32, #tpu.memory_space<vmem>>, vector<2048x128xf32>
    tpu.vector_store %arg3[%swap3A, %swap3A_13], %mul3A_12 {strides = array<i32>} : memref<2048x128xf32, #tpu.memory_space<vmem>>, vector<2048x128xf32>,
    return
  }
  func.func @transform_0(%arg0: i32) -> (i32, i32) {
    %c0_i32 = arith.constant 0 : i32
    %c0_i32_0 = arith.constant 0 : i32
    return %arg0, %c0_i32 : i32, i32
  }
  func.func @transform_1(%arg0: i32) -> (i32, i32) {
    %c0_i32 = arith.constant 0 : i32
    %c0_i32_0 = arith.constant 0 : i32
    return %arg0, %c0_i32 : i32, i32
  }
  func.func @transform_2(%arg0: i32) -> (i32, i32) {
    %c0_i32 = arith.constant 0 : i32
    %c0_i32_0 = arith.constant 0 : i32
    return %arg0, %c0_i32 : i32, i32
  }
}

module attributes {stable_mosaic.version = 14 : i64} {
  func.func @_tc_h2_body(%arg0: i32, %arg1: memref<2x256x128xf32, #tpu.memory_space<vmem>>, %arg2: memref<8x256xf32, #tpu.memory_space<vmem>>, %arg3: memref<256x128xf32, #tpu.memory_space<vmem>>) attributes {dimension_semantics = [#tpu.dimension_semantics<arbitrary>], iteration_bounds = array<i64: 40>, scalar_prefetch = 0 : i64, scratch_operands = 0 : i64, tpu.core_type = #tpu.core_type<tc>, window_params = [{transform_indices = @transform_0, window_bounds = array<i64: 2, 256, 128>}, {transform_indices = @transform_1, window_bounds = array<i64: 8, 256>}, {transform_indices = @transform_2, window_bounds = array<i64: 256, 128>}]} {
    %get3A = arith.constant 0 : index
    %get3A_0 = arith.constant 0 : index
    %get3A_1 = vector.load %arg2[%get3A, %get3A_0] : memref<8x256xf32, #tpu.memory_space<vmem>>, vector<8x256xf32>
    %slice3A = vector.extract_strided_slice %get3A_1 {offsets = [0, 0], sizes = [1, 256], strides = [1, 1]} : vector<8x256xf32> to vector<1x256xf32>
    %squeeze3A = vector.shape_cast %slice3A : vector<1x256xf32> to vector<256xf32>
    %slice3A_2 = vector.extract_strided_slice %get3A_1 {offsets = [2, 0], sizes = [1, 256], strides = [1, 1]} : vector<8x256xf32> to vector<1x256xf32>
    %squeeze3A_3 = vector.shape_cast %slice3A_2 : vector<1x256xf32> to vector<256xf32>
    %add3A = arith.addf %squeeze3A, %squeeze3A_3 : vector<256xf32>
    %gt3A = arith.constant 0.000000e+00 : f32
    %gt3A_4 = vector.broadcast %gt3A : f32 to vector<256xf32>
    %gt3A_5 = arith.cmpf ogt, %add3A, %gt3A_4 : vector<256xf32>
    %div3A = arith.constant 1.000000e+00 : f32
    %div3A_6 = vector.broadcast %div3A : f32 to vector<256xf32>
    %div3A_7 = arith.divf %div3A_6, %add3A : vector<256xf32>
    %jit3A = arith.constant 0.000000e+00 : f32
    %broadcast_in_dim3A = vector.broadcast %jit3A : f32 to vector<256xf32>
    %select_n3A = arith.select %gt3A_5, %div3A_7, %broadcast_in_dim3A : vector<256xi1>, vector<256xf32>
    %get3A_8 = arith.constant 0 : index
    %get3A_9 = arith.constant 0 : index
    %get3A_10 = arith.constant 0 : index
    %get3A_11 = vector.load %arg1[%get3A_8, %get3A_9, %get3A_10] : memref<2x256x128xf32, #tpu.memory_space<vmem>>, vector<1x256x128xf32>
    %get3A_12 = vector.shape_cast %get3A_11 : vector<1x256x128xf32> to vector<256x128xf32>
    %get3A_13 = arith.constant 1 : index
    %get3A_14 = arith.constant 0 : index
    %get3A_15 = arith.constant 0 : index
    %get3A_16 = vector.load %arg1[%get3A_13, %get3A_14, %get3A_15] : memref<2x256x128xf32, #tpu.memory_space<vmem>>, vector<1x256x128xf32>
    %get3A_17 = vector.shape_cast %get3A_16 : vector<1x256x128xf32> to vector<256x128xf32>
    %add3A_18 = arith.addf %get3A_12, %get3A_17 : vector<256x128xf32>
    %broadcast_in_dim3A_19 = vector.shape_cast %select_n3A : vector<256xf32> to vector<256x1xf32>
    %neg3A = arith.constant 0.000000e+00 : f32
    %neg3A_20 = vector.broadcast %neg3A : f32 to vector<256x1xf32>
    %neg3A_21 = arith.subf %neg3A_20, %broadcast_in_dim3A_19 : vector<256x1xf32>
    %slice3A_22 = vector.extract_strided_slice %add3A_18 {offsets = [0, 84], sizes = [256, 42], strides = [1, 1]} : vector<256x128xf32> to vector<256x42xf32>
    %mul3A = vector.broadcast %neg3A_21 : vector<256x1xf32> to vector<256x42xf32>
    %mul3A_23 = arith.mulf %mul3A, %slice3A_22 : vector<256x42xf32>
    %broadcast_in_dim3A_24 = arith.constant 0.000000e+00 : f32
    %broadcast_in_dim3A_25 = vector.broadcast %broadcast_in_dim3A_24 : f32 to vector<256x86xf32>
    %concatenate3A = tpu.concatenate %mul3A_23, %broadcast_in_dim3A_25 in 1 : vector<256x42xf32>, vector<256x86xf32> -> vector<256x128xf32>
    %swap3A = arith.constant 0 : index
    %swap3A_26 = arith.constant 0 : index
    %swap3A_27 = vector.load %arg3[%swap3A, %swap3A_26] : memref<256x128xf32, #tpu.memory_space<vmem>>, vector<256x128xf32>
    tpu.vector_store %arg3[%swap3A, %swap3A_26], %concatenate3A {strides = array<i32>} : memref<256x128xf32, #tpu.memory_space<vmem>>, vector<256x128xf32>,
    return
  }
  func.func @transform_0(%arg0: i32) -> (i32, i32, i32) {
    %c0_i32 = arith.constant 0 : i32
    %c0_i32_0 = arith.constant 0 : i32
    %c0_i32_1 = arith.constant 0 : i32
    return %c0_i32, %arg0, %c0_i32_0 : i32, i32, i32
  }
  func.func @transform_1(%arg0: i32) -> (i32, i32) {
    %c0_i32 = arith.constant 0 : i32
    %c0_i32_0 = arith.constant 0 : i32
    return %c0_i32, %arg0 : i32, i32
  }
  func.func @transform_2(%arg0: i32) -> (i32, i32) {
    %c0_i32 = arith.constant 0 : i32
    %c0_i32_0 = arith.constant 0 : i32
    return %arg0, %c0_i32 : i32, i32
  }
}

module attributes {stable_mosaic.version = 14 : i64} {
  func.func @_tc_fin_body(%arg0: i32, %arg1: memref<256x128xf32, #tpu.memory_space<vmem>>, %arg2: memref<2x256x128xf32, #tpu.memory_space<vmem>>, %arg3: memref<2x256x128xf32, #tpu.memory_space<vmem>>, %arg4: memref<2x256x128xf32, #tpu.memory_space<vmem>>, %arg5: memref<8x256xf32, #tpu.memory_space<vmem>>, %arg6: memref<128x192xf32, #tpu.memory_space<vmem>>, %arg7: memref<1x48xf32, #tpu.memory_space<vmem>>, %arg8: memref<1x48xf32, #tpu.memory_space<vmem>>, %arg9: memref<1x48xf32, #tpu.memory_space<vmem>>, %arg10: memref<128x128xf32, #tpu.memory_space<vmem>>, %arg11: memref<1x128xf32, #tpu.memory_space<vmem>>, %arg12: memref<1x128xf32, #tpu.memory_space<vmem>>, %arg13: memref<1x128xf32, #tpu.memory_space<vmem>>, %arg14: memref<256x128xf32, #tpu.memory_space<vmem>>) attributes {dimension_semantics = [#tpu.dimension_semantics<arbitrary>], iteration_bounds = array<i64: 40>, scalar_prefetch = 0 : i64, scratch_operands = 0 : i64, tpu.core_type = #tpu.core_type<tc>, window_params = [{transform_indices = @transform_0, window_bounds = array<i64: 256, 128>}, {transform_indices = @transform_1, window_bounds = array<i64: 2, 256, 128>}, {transform_indices = @transform_2, window_bounds = array<i64: 2, 256, 128>}, {transform_indices = @transform_3, window_bounds = array<i64: 2, 256, 128>}, {transform_indices = @transform_4, window_bounds = array<i64: 8, 256>}, {pipeline_mode = #tpu.pipeline_mode<synchronous>, transform_indices = @transform_5, window_bounds = array<i64: 128, 192>}, {pipeline_mode = #tpu.pipeline_mode<synchronous>, transform_indices = @transform_6, window_bounds = array<i64: 1, 48>}, {pipeline_mode = #tpu.pipeline_mode<synchronous>, transform_indices = @transform_7, window_bounds = array<i64: 1, 48>}, {pipeline_mode = #tpu.pipeline_mode<synchronous>, transform_indices = @transform_8, window_bounds = array<i64: 1, 48>}, {pipeline_mode = #tpu.pipeline_mode<synchronous>, transform_indices = @transform_9, window_bounds = array<i64: 128, 128>}, {pipeline_mode = #tpu.pipeline_mode<synchronous>, transform_indices = @transform_10, window_bounds = array<i64: 1, 128>}, {pipeline_mode = #tpu.pipeline_mode<synchronous>, transform_indices = @transform_11, window_bounds = array<i64: 1, 128>}, {pipeline_mode = #tpu.pipeline_mode<synchronous>, transform_indices = @transform_12, window_bounds = array<i64: 1, 128>}, {transform_indices = @transform_13, window_bounds = array<i64: 256, 128>}]} {
    %get3A = arith.constant 0 : index
    %get3A_0 = arith.constant 0 : index
    %get3A_1 = vector.load %arg1[%get3A, %get3A_0] : memref<256x128xf32, #tpu.memory_space<vmem>>, vector<256x128xf32>
    %get3A_2 = arith.constant 0 : index
    %get3A_3 = arith.constant 0 : index
    %get3A_4 = vector.load %arg5[%get3A_2, %get3A_3] : memref<8x256xf32, #tpu.memory_space<vmem>>, vector<8x256xf32>
    %slice3A = vector.extract_strided_slice %get3A_4 {offsets = [0, 0], sizes = [1, 256], strides = [1, 1]} : vector<8x256xf32> to vector<1x256xf32>
    %squeeze3A = vector.shape_cast %slice3A : vector<1x256xf32> to vector<256xf32>
    %slice3A_5 = vector.extract_strided_slice %get3A_4 {offsets = [2, 0], sizes = [1, 256], strides = [1, 1]} : vector<8x256xf32> to vector<1x256xf32>
    %squeeze3A_6 = vector.shape_cast %slice3A_5 : vector<1x256xf32> to vector<256xf32>
    %add3A = arith.addf %squeeze3A, %squeeze3A_6 : vector<256xf32>
    %slice3A_7 = vector.extract_strided_slice %get3A_4 {offsets = [1, 0], sizes = [1, 256], strides = [1, 1]} : vector<8x256xf32> to vector<1x256xf32>
    %squeeze3A_8 = vector.shape_cast %slice3A_7 : vector<1x256xf32> to vector<256xf32>
    %slice3A_9 = vector.extract_strided_slice %get3A_4 {offsets = [3, 0], sizes = [1, 256], strides = [1, 1]} : vector<8x256xf32> to vector<1x256xf32>
    %squeeze3A_10 = vector.shape_cast %slice3A_9 : vector<1x256xf32> to vector<256xf32>
    %add3A_11 = arith.addf %squeeze3A_8, %squeeze3A_10 : vector<256xf32>
    %gt3A = arith.constant 0.000000e+00 : f32
    %gt3A_12 = vector.broadcast %gt3A : f32 to vector<256xf32>
    %gt3A_13 = arith.cmpf ogt, %add3A, %gt3A_12 : vector<256xf32>
    %pow3A = arith.constant -5.000000e-01 : f32
    %pow3A_14 = vector.broadcast %pow3A : f32 to vector<256xf32>
    %pow3A_15 = math.powf %add3A, %pow3A_14 : vector<256xf32>
    %jit3A = arith.constant 0.000000e+00 : f32
    %broadcast_in_dim3A = vector.broadcast %jit3A : f32 to vector<256xf32>
    %select_n3A = arith.select %gt3A_13, %pow3A_15, %broadcast_in_dim3A : vector<256xi1>, vector<256xf32>
    %get3A_16 = arith.constant 0 : index
    %get3A_17 = arith.constant 0 : index
    %get3A_18 = arith.constant 0 : index
    %get3A_19 = vector.load %arg2[%get3A_16, %get3A_17, %get3A_18] : memref<2x256x128xf32, #tpu.memory_space<vmem>>, vector<1x256x128xf32>
    %get3A_20 = vector.shape_cast %get3A_19 : vector<1x256x128xf32> to vector<256x128xf32>
    %get3A_21 = arith.constant 1 : index
    %get3A_22 = arith.constant 0 : index
    %get3A_23 = arith.constant 0 : index
    %get3A_24 = vector.load %arg2[%get3A_21, %get3A_22, %get3A_23] : memref<2x256x128xf32, #tpu.memory_space<vmem>>, vector<1x256x128xf32>
    %get3A_25 = vector.shape_cast %get3A_24 : vector<1x256x128xf32> to vector<256x128xf32>
    %add3A_26 = arith.addf %get3A_20, %get3A_25 : vector<256x128xf32>
    %get3A_27 = arith.constant 0 : index
    %get3A_28 = arith.constant 0 : index
    %get3A_29 = arith.constant 0 : index
    %get3A_30 = vector.load %arg3[%get3A_27, %get3A_28, %get3A_29] : memref<2x256x128xf32, #tpu.memory_space<vmem>>, vector<1x256x128xf32>
    %get3A_31 = vector.shape_cast %get3A_30 : vector<1x256x128xf32> to vector<256x128xf32>
    %get3A_32 = arith.constant 1 : index
    %get3A_33 = arith.constant 0 : index
    %get3A_34 = arith.constant 0 : index
    %get3A_35 = vector.load %arg3[%get3A_32, %get3A_33, %get3A_34] : memref<2x256x128xf32, #tpu.memory_space<vmem>>, vector<1x256x128xf32>
    %get3A_36 = vector.shape_cast %get3A_35 : vector<1x256x128xf32> to vector<256x128xf32>
    %add3A_37 = arith.addf %get3A_31, %get3A_36 : vector<256x128xf32>
    %get3A_38 = arith.constant 0 : index
    %get3A_39 = arith.constant 0 : index
    %get3A_40 = arith.constant 0 : index
    %get3A_41 = vector.load %arg4[%get3A_38, %get3A_39, %get3A_40] : memref<2x256x128xf32, #tpu.memory_space<vmem>>, vector<1x256x128xf32>
    %get3A_42 = vector.shape_cast %get3A_41 : vector<1x256x128xf32> to vector<256x128xf32>
    %get3A_43 = arith.constant 1 : index
    %get3A_44 = arith.constant 0 : index
    %get3A_45 = arith.constant 0 : index
    %get3A_46 = vector.load %arg4[%get3A_43, %get3A_44, %get3A_45] : memref<2x256x128xf32, #tpu.memory_space<vmem>>, vector<1x256x128xf32>
    %get3A_47 = vector.shape_cast %get3A_46 : vector<1x256x128xf32> to vector<256x128xf32>
    %add3A_48 = arith.addf %get3A_42, %get3A_47 : vector<256x128xf32>
    %get3A_49 = arith.constant 0 : index
    %get3A_50 = arith.constant 0 : index
    %get3A_51 = vector.load %arg6[%get3A_49, %get3A_50] : memref<128x192xf32, #tpu.memory_space<vmem>>, vector<128x192xf32>
    %dot_general3A = arith.constant dense<0.000000e+00> : vector<256x192xf32>
    %dot_general3A_52 = tpu.matmul %get3A_1, %get3A_51, %dot_general3A {dimension_numbers = #tpu.dot_dimension_numbers<[1], [0], [0], [1], [0, 0, 1, 1], [], []>, transpose_lhs_hint = false} : vector<256x128xf32>, vector<128x192xf32>, vector<256x192xf32> -> vector<256x192xf32>
    %slice3A_53 = vector.extract_strided_slice %add3A_26 {offsets = [0, 0], sizes = [256, 42], strides = [1, 1]} : vector<256x128xf32> to vector<256x42xf32>
    %max3A = arith.constant 1.000000e+00 : f32
    %max3A_54 = vector.broadcast %max3A : f32 to vector<256xf32>
    %max3A_55 = arith.maximumf %add3A_11, %max3A_54 : vector<256xf32>
    %broadcast_in_dim3A_56 = vector.shape_cast %max3A_55 : vector<256xf32> to vector<256x1xf32>
    %div3A = vector.broadcast %broadcast_in_dim3A_56 : vector<256x1xf32> to vector<256x42xf32>
    %div3A_57 = arith.divf %slice3A_53, %div3A : vector<256x42xf32>
    %get3A_58 = arith.constant 0 : index
    %get3A_59 = arith.constant 0 : index
    %get3A_60 = vector.load %arg7[%get3A_58, %get3A_59] : memref<1x48xf32, #tpu.memory_space<vmem>>, vector<1x48xf32>
    %slice3A_61 = vector.extract_strided_slice %get3A_60 {offsets = [0, 0], sizes = [1, 42], strides = [1, 1]} : vector<1x48xf32> to vector<1x42xf32>
    %add3A_62 = vector.broadcast %slice3A_61 : vector<1x42xf32> to vector<256x42xf32>
    %add3A_63 = arith.addf %div3A_57, %add3A_62 : vector<256x42xf32>
    %slice3A_64 = vector.extract_strided_slice %dot_general3A_52 {offsets = [0, 0], sizes = [256, 42], strides = [1, 1]} : vector<256x192xf32> to vector<256x42xf32>
    %add3A_65 = arith.addf %add3A_63, %slice3A_64 : vector<256x42xf32>
    %mul3A = arith.constant 5.000000e-01 : f32
    %mul3A_66 = vector.broadcast %mul3A : f32 to vector<256x42xf32>
    %mul3A_67 = arith.mulf %mul3A_66, %add3A_65 : vector<256x42xf32>
    %mul3A_68 = arith.constant 0.707106769 : f32
    %mul3A_69 = vector.broadcast %mul3A_68 : f32 to vector<256x42xf32>
    %mul3A_70 = arith.mulf %add3A_65, %mul3A_69 : vector<256x42xf32>
    %erf3A = math.erf %mul3A_70 : vector<256x42xf32>
    %add3A_71 = arith.constant 1.000000e+00 : f32
    %add3A_72 = vector.broadcast %add3A_71 : f32 to vector<256x42xf32>
    %add3A_73 = arith.addf %add3A_72, %erf3A : vector<256x42xf32>
    %mul3A_74 = arith.mulf %mul3A_67, %add3A_73 : vector<256x42xf32>
    %broadcast_in_dim3A_75 = vector.shape_cast %select_n3A : vector<256xf32> to vector<256x1xf32>
    %neg3A = arith.constant 0.000000e+00 : f32
    %neg3A_76 = vector.broadcast %neg3A : f32 to vector<256x1xf32>
    %neg3A_77 = arith.subf %neg3A_76, %broadcast_in_dim3A_75 : vector<256x1xf32>
    %slice3A_78 = vector.extract_strided_slice %add3A_26 {offsets = [0, 42], sizes = [256, 42], strides = [1, 1]} : vector<256x128xf32> to vector<256x42xf32>
    %mul3A_79 = vector.broadcast %neg3A_77 : vector<256x1xf32> to vector<256x42xf32>
    %mul3A_80 = arith.mulf %mul3A_79, %slice3A_78 : vector<256x42xf32>
    %broadcast_in_dim3A_81 = vector.shape_cast %select_n3A : vector<256xf32> to vector<256x1xf32>
    %neg3A_82 = arith.constant 0.000000e+00 : f32
    %neg3A_83 = vector.broadcast %neg3A_82 : f32 to vector<256x1xf32>
    %neg3A_84 = arith.subf %neg3A_83, %broadcast_in_dim3A_81 : vector<256x1xf32>
    %slice3A_85 = vector.extract_strided_slice %add3A_37 {offsets = [0, 0], sizes = [256, 42], strides = [1, 1]} : vector<256x128xf32> to vector<256x42xf32>
    %mul3A_86 = vector.broadcast %neg3A_84 : vector<256x1xf32> to vector<256x42xf32>
    %mul3A_87 = arith.mulf %mul3A_86, %slice3A_85 : vector<256x42xf32>
    %slice3A_88 = vector.extract_strided_slice %dot_general3A_52 {offsets = [0, 48], sizes = [256, 42], strides = [1, 1]} : vector<256x192xf32> to vector<256x42xf32>
    %add3A_89 = arith.addf %slice3A_88, %mul3A_80 : vector<256x42xf32>
    %mul3A_90 = arith.constant 2.000000e+00 : f32
    %mul3A_91 = vector.broadcast %mul3A_90 : f32 to vector<256x42xf32>
    %mul3A_92 = arith.mulf %mul3A_91, %mul3A_87 : vector<256x42xf32>
    %add3A_93 = arith.addf %add3A_89, %mul3A_92 : vector<256x42xf32>
    %slice3A_94 = vector.extract_strided_slice %dot_general3A_52 {offsets = [0, 96], sizes = [256, 42], strides = [1, 1]} : vector<256x192xf32> to vector<256x42xf32>
    %sub3A = arith.subf %add3A_93, %slice3A_94 : vector<256x42xf32>
    %get3A_95 = arith.constant 0 : index
    %get3A_96 = arith.constant 0 : index
    %get3A_97 = vector.load %arg8[%get3A_95, %get3A_96] : memref<1x48xf32, #tpu.memory_space<vmem>>, vector<1x48xf32>
    %slice3A_98 = vector.extract_strided_slice %get3A_97 {offsets = [0, 0], sizes = [1, 42], strides = [1, 1]} : vector<1x48xf32> to vector<1x42xf32>
    %add3A_99 = vector.broadcast %slice3A_98 : vector<1x42xf32> to vector<256x42xf32>
    %add3A_100 = arith.addf %sub3A, %add3A_99 : vector<256x42xf32>
    %mul3A_101 = arith.constant 5.000000e-01 : f32
    %mul3A_102 = vector.broadcast %mul3A_101 : f32 to vector<256x42xf32>
    %mul3A_103 = arith.mulf %mul3A_102, %add3A_100 : vector<256x42xf32>
    %mul3A_104 = arith.constant 0.707106769 : f32
    %mul3A_105 = vector.broadcast %mul3A_104 : f32 to vector<256x42xf32>
    %mul3A_106 = arith.mulf %add3A_100, %mul3A_105 : vector<256x42xf32>
    %erf3A_107 = math.erf %mul3A_106 : vector<256x42xf32>
    %add3A_108 = arith.constant 1.000000e+00 : f32
    %add3A_109 = vector.broadcast %add3A_108 : f32 to vector<256x42xf32>
    %add3A_110 = arith.addf %add3A_109, %erf3A_107 : vector<256x42xf32>
    %mul3A_111 = arith.mulf %mul3A_103, %add3A_110 : vector<256x42xf32>
    %slice3A_112 = vector.extract_strided_slice %add3A_48 {offsets = [0, 42], sizes = [256, 1], strides = [1, 1]} : vector<256x128xf32> to vector<256x1xf32>
    %squeeze3A_113 = vector.shape_cast %slice3A_112 : vector<256x1xf32> to vector<256xf32>
    %slice3A_114 = vector.extract_strided_slice %add3A_48 {offsets = [0, 0], sizes = [256, 42], strides = [1, 1]} : vector<256x128xf32> to vector<256x42xf32>
    %add3A_115 = arith.constant 1.000000e-16 : f32
    %add3A_116 = vector.broadcast %add3A_115 : f32 to vector<256xf32>
    %add3A_117 = arith.addf %squeeze3A_113, %add3A_116 : vector<256xf32>
    %broadcast_in_dim3A_118 = vector.shape_cast %add3A_117 : vector<256xf32> to vector<256x1xf32>
    %div3A_119 = vector.broadcast %broadcast_in_dim3A_118 : vector<256x1xf32> to vector<256x42xf32>
    %div3A_120 = arith.divf %slice3A_114, %div3A_119 : vector<256x42xf32>
    %slice3A_121 = vector.extract_strided_slice %dot_general3A_52 {offsets = [0, 144], sizes = [256, 42], strides = [1, 1]} : vector<256x192xf32> to vector<256x42xf32>
    %add3A_122 = arith.addf %div3A_120, %slice3A_121 : vector<256x42xf32>
    %get3A_123 = arith.constant 0 : index
    %get3A_124 = arith.constant 0 : index
    %get3A_125 = vector.load %arg9[%get3A_123, %get3A_124] : memref<1x48xf32, #tpu.memory_space<vmem>>, vector<1x48xf32>
    %slice3A_126 = vector.extract_strided_slice %get3A_125 {offsets = [0, 0], sizes = [1, 42], strides = [1, 1]} : vector<1x48xf32> to vector<1x42xf32>
    %add3A_127 = vector.broadcast %slice3A_126 : vector<1x42xf32> to vector<256x42xf32>
    %add3A_128 = arith.addf %add3A_122, %add3A_127 : vector<256x42xf32>
    %mul3A_129 = arith.constant 5.000000e-01 : f32
    %mul3A_130 = vector.broadcast %mul3A_129 : f32 to vector<256x42xf32>
    %mul3A_131 = arith.mulf %mul3A_130, %add3A_128 : vector<256x42xf32>
    %mul3A_132 = arith.constant 0.707106769 : f32
    %mul3A_133 = vector.broadcast %mul3A_132 : f32 to vector<256x42xf32>
    %mul3A_134 = arith.mulf %add3A_128, %mul3A_133 : vector<256x42xf32>
    %erf3A_135 = math.erf %mul3A_134 : vector<256x42xf32>
    %add3A_136 = arith.constant 1.000000e+00 : f32
    %add3A_137 = vector.broadcast %add3A_136 : f32 to vector<256x42xf32>
    %add3A_138 = arith.addf %add3A_137, %erf3A_135 : vector<256x42xf32>
    %mul3A_139 = arith.mulf %mul3A_131, %add3A_138 : vector<256x42xf32>
    %broadcast_in_dim3A_140 = arith.constant 0.000000e+00 : f32
    %broadcast_in_dim3A_141 = vector.broadcast %broadcast_in_dim3A_140 : f32 to vector<256x2xf32>
    %concatenate3A = tpu.concatenate %mul3A_74, %mul3A_111, %mul3A_139, %broadcast_in_dim3A_141 in 1 : vector<256x42xf32>, vector<256x42xf32>, vector<256x42xf32>, vector<256x2xf32> -> vector<256x128xf32>
    %get3A_142 = arith.constant 0 : index
    %get3A_143 = arith.constant 0 : index
    %get3A_144 = vector.load %arg10[%get3A_142, %get3A_143] : memref<128x128xf32, #tpu.memory_space<vmem>>, vector<128x128xf32>
    %dot_general3A_145 = arith.constant dense<0.000000e+00> : vector<256x128xf32>
    %dot_general3A_146 = tpu.matmul %concatenate3A, %get3A_144, %dot_general3A_145 {dimension_numbers = #tpu.dot_dimension_numbers<[1], [0], [0], [1], [0, 0, 1, 1], [], []>, transpose_lhs_hint = false} : vector<256x128xf32>, vector<128x128xf32>, vector<256x128xf32> -> vector<256x128xf32>
    %get3A_147 = arith.constant 0 : index
    %get3A_148 = arith.constant 0 : index
    %get3A_149 = vector.load %arg11[%get3A_147, %get3A_148] : memref<1x128xf32, #tpu.memory_space<vmem>>, vector<1x128xf32>
    %add3A_150 = vector.broadcast %get3A_149 : vector<1x128xf32> to vector<256x128xf32>
    %add3A_151 = arith.addf %dot_general3A_146, %add3A_150 : vector<256x128xf32>
    %logistic3A = arith.negf %add3A_151 : vector<256x128xf32>
    %logistic3A_152 = math.exp %logistic3A : vector<256x128xf32>
    %logistic3A_153 = arith.constant 1.000000e+00 : f32
    %logistic3A_154 = vector.broadcast %logistic3A_153 : f32 to vector<256x128xf32>
    %logistic3A_155 = arith.addf %logistic3A_154, %logistic3A_152 : vector<256x128xf32>
    %logistic3A_156 = arith.divf %logistic3A_154, %logistic3A_155 : vector<256x128xf32>
    %mul3A_157 = arith.mulf %logistic3A_156, %concatenate3A : vector<256x128xf32>
    %add3A_158 = arith.addf %mul3A_157, %get3A_1 : vector<256x128xf32>
    %reduce_sum3A = arith.constant dense<0.000000e+00> : vector<256xf32>
    %reduce_sum3A_159 = vector.multi_reduction <add>, %add3A_158, %reduce_sum3A [1] : vector<256x128xf32> to vector<256xf32>
    %broadcast_in_dim3A_160 = vector.shape_cast %reduce_sum3A_159 : vector<256xf32> to vector<256x1xf32>
    %div3A_161 = arith.constant 1.280000e+02 : f32
    %div3A_162 = vector.broadcast %div3A_161 : f32 to vector<256x1xf32>
    %div3A_163 = arith.divf %broadcast_in_dim3A_160, %div3A_162 : vector<256x1xf32>
    %sub3A_164 = vector.broadcast %div3A_163 : vector<256x1xf32> to vector<256x128xf32>
    %sub3A_165 = arith.subf %add3A_158, %sub3A_164 : vector<256x128xf32>
    %integer_pow3A = arith.mulf %sub3A_165, %sub3A_165 : vector<256x128xf32>
    %reduce_sum3A_166 = arith.constant dense<0.000000e+00> : vector<256xf32>
    %reduce_sum3A_167 = vector.multi_reduction <add>, %integer_pow3A, %reduce_sum3A_166 [1] : vector<256x128xf32> to vector<256xf32>
    %broadcast_in_dim3A_168 = vector.shape_cast %reduce_sum3A_167 : vector<256xf32> to vector<256x1xf32>
    %div3A_169 = arith.constant 1.280000e+02 : f32
    %div3A_170 = vector.broadcast %div3A_169 : f32 to vector<256x1xf32>
    %div3A_171 = arith.divf %broadcast_in_dim3A_168, %div3A_170 : vector<256x1xf32>
    %sub3A_172 = vector.broadcast %div3A_163 : vector<256x1xf32> to vector<256x128xf32>
    %sub3A_173 = arith.subf %add3A_158, %sub3A_172 : vector<256x128xf32>
    %add3A_174 = arith.constant 9.99999974E-6 : f32
    %add3A_175 = vector.broadcast %add3A_174 : f32 to vector<256x1xf32>
    %add3A_176 = arith.addf %div3A_171, %add3A_175 : vector<256x1xf32>
    %sqrt3A = math.sqrt %add3A_176 : vector<256x1xf32>
    %div3A_177 = vector.broadcast %sqrt3A : vector<256x1xf32> to vector<256x128xf32>
    %div3A_178 = arith.divf %sub3A_173, %div3A_177 : vector<256x128xf32>
    %get3A_179 = arith.constant 0 : index
    %get3A_180 = arith.constant 0 : index
    %get3A_181 = vector.load %arg12[%get3A_179, %get3A_180] : memref<1x128xf32, #tpu.memory_space<vmem>>, vector<1x128xf32>
    %mul3A_182 = vector.broadcast %get3A_181 : vector<1x128xf32> to vector<256x128xf32>
    %mul3A_183 = arith.mulf %div3A_178, %mul3A_182 : vector<256x128xf32>
    %get3A_184 = arith.constant 0 : index
    %get3A_185 = arith.constant 0 : index
    %get3A_186 = vector.load %arg13[%get3A_184, %get3A_185] : memref<1x128xf32, #tpu.memory_space<vmem>>, vector<1x128xf32>
    %add3A_187 = vector.broadcast %get3A_186 : vector<1x128xf32> to vector<256x128xf32>
    %add3A_188 = arith.addf %mul3A_183, %add3A_187 : vector<256x128xf32>
    %mul3A_189 = arith.constant 5.000000e-01 : f32
    %mul3A_190 = vector.broadcast %mul3A_189 : f32 to vector<256x128xf32>
    %mul3A_191 = arith.mulf %mul3A_190, %add3A_188 : vector<256x128xf32>
    %mul3A_192 = arith.constant 0.707106769 : f32
    %mul3A_193 = vector.broadcast %mul3A_192 : f32 to vector<256x128xf32>
    %mul3A_194 = arith.mulf %add3A_188, %mul3A_193 : vector<256x128xf32>
    %erf3A_195 = math.erf %mul3A_194 : vector<256x128xf32>
    %add3A_196 = arith.constant 1.000000e+00 : f32
    %add3A_197 = vector.broadcast %add3A_196 : f32 to vector<256x128xf32>
    %add3A_198 = arith.addf %add3A_197, %erf3A_195 : vector<256x128xf32>
    %mul3A_199 = arith.mulf %mul3A_191, %add3A_198 : vector<256x128xf32>
    %swap3A = arith.constant 0 : index
    %swap3A_200 = arith.constant 0 : index
    %swap3A_201 = vector.load %arg14[%swap3A, %swap3A_200] : memref<256x128xf32, #tpu.memory_space<vmem>>, vector<256x128xf32>
    tpu.vector_store %arg14[%swap3A, %swap3A_200], %mul3A_199 {strides = array<i32>} : memref<256x128xf32, #tpu.memory_space<vmem>>, vector<256x128xf32>,
    return
  }
  func.func @transform_0(%arg0: i32) -> (i32, i32) {
    %c0_i32 = arith.constant 0 : i32
    %c0_i32_0 = arith.constant 0 : i32
    return %arg0, %c0_i32 : i32, i32
  }
  func.func @transform_1(%arg0: i32) -> (i32, i32, i32) {
    %c0_i32 = arith.constant 0 : i32
    %c0_i32_0 = arith.constant 0 : i32
    %c0_i32_1 = arith.constant 0 : i32
    return %c0_i32, %arg0, %c0_i32_0 : i32, i32, i32
  }
  func.func @transform_2(%arg0: i32) -> (i32, i32, i32) {
    %c0_i32 = arith.constant 0 : i32
    %c0_i32_0 = arith.constant 0 : i32
    %c0_i32_1 = arith.constant 0 : i32
    return %c0_i32, %arg0, %c0_i32_0 : i32, i32, i32
  }
  func.func @transform_3(%arg0: i32) -> (i32, i32, i32) {
    %c0_i32 = arith.constant 0 : i32
    %c0_i32_0 = arith.constant 0 : i32
    %c0_i32_1 = arith.constant 0 : i32
    return %c0_i32, %arg0, %c0_i32_0 : i32, i32, i32
  }
  func.func @transform_4(%arg0: i32) -> (i32, i32) {
    %c0_i32 = arith.constant 0 : i32
    %c0_i32_0 = arith.constant 0 : i32
    return %c0_i32, %arg0 : i32, i32
  }
  func.func @transform_5(%arg0: i32) -> (i32, i32) {
    %c0_i32 = arith.constant 0 : i32
    %c0_i32_0 = arith.constant 0 : i32
    %c0_i32_1 = arith.constant 0 : i32
    return %c0_i32, %c0_i32_0 : i32, i32
  }
  func.func @transform_6(%arg0: i32) -> (i32, i32) {
    %c0_i32 = arith.constant 0 : i32
    %c0_i32_0 = arith.constant 0 : i32
    %c0_i32_1 = arith.constant 0 : i32
    return %c0_i32, %c0_i32_0 : i32, i32
  }
  func.func @transform_7(%arg0: i32) -> (i32, i32) {
    %c0_i32 = arith.constant 0 : i32
    %c0_i32_0 = arith.constant 0 : i32
    %c0_i32_1 = arith.constant 0 : i32
    return %c0_i32, %c0_i32_0 : i32, i32
  }
  func.func @transform_8(%arg0: i32) -> (i32, i32) {
    %c0_i32 = arith.constant 0 : i32
    %c0_i32_0 = arith.constant 0 : i32
    %c0_i32_1 = arith.constant 0 : i32
    return %c0_i32, %c0_i32_0 : i32, i32
  }
  func.func @transform_9(%arg0: i32) -> (i32, i32) {
    %c0_i32 = arith.constant 0 : i32
    %c0_i32_0 = arith.constant 0 : i32
    %c0_i32_1 = arith.constant 0 : i32
    return %c0_i32, %c0_i32_0 : i32, i32
  }
  func.func @transform_10(%arg0: i32) -> (i32, i32) {
    %c0_i32 = arith.constant 0 : i32
    %c0_i32_0 = arith.constant 0 : i32
    %c0_i32_1 = arith.constant 0 : i32
    return %c0_i32, %c0_i32_0 : i32, i32
  }
  func.func @transform_11(%arg0: i32) -> (i32, i32) {
    %c0_i32 = arith.constant 0 : i32
    %c0_i32_0 = arith.constant 0 : i32
    %c0_i32_1 = arith.constant 0 : i32
    return %c0_i32, %c0_i32_0 : i32, i32
  }
  func.func @transform_12(%arg0: i32) -> (i32, i32) {
    %c0_i32 = arith.constant 0 : i32
    %c0_i32_0 = arith.constant 0 : i32
    %c0_i32_1 = arith.constant 0 : i32
    return %c0_i32, %c0_i32_0 : i32, i32
  }
  func.func @transform_13(%arg0: i32) -> (i32, i32) {
    %c0_i32 = arith.constant 0 : i32
    %c0_i32_0 = arith.constant 0 : i32
    return %arg0, %c0_i32 : i32, i32
  }
}

</mosaic_0001>

<sc_bundles>
// kernel: kernel.12.cloned.1.call-start
scs
__scs_entry_jumppad:
0x0: {  	(pc) =	sbr.rel $0x88, $3  }
0x1: {  	(tag) =	ssettag $0x0;
	lr =	simm.s32 $0x1  }
0x2: {  	[smem:$0x3F8C] =	sst lr;
	_ =	strace $0xD0000000  }
0x3: {  	_ = 	snop  }
0x4: {  	_ = 	snop  }
0x5: {  	_ = 	snop  }
0x6: {  	_ = 	snop  }
0x7: {  	_ = 	snop  }
__scs_overlays_trampoline_lowered:
0x8: {  	[smem:$0x3F9B] =	sst s0  }
0x9: {  	[smem:$0x3F9C] =	sst s1  }
0xa: {  	[smem:$0x3F9D] =	sst s2  }
0xb: {  	[smem:$0x3F9E] =	sst s3  }
0xc: {  	[smem:$0x3F9F] =	sst s4  }
0xd: {  	[smem:$0x3FA0] =	sst s5  }
0xe: {  	[smem:$0x3FA1] =	sst s6  }
0xf: {  	[smem:$0x3FA2] =	sst s7  }
0x10: {  	[smem:$0x3FA3] =	sst s8  }
0x11: {  	[smem:$0x3FA4] =	sst s9;
	s0 =	simm.s32 @!p0 $0x0  }
0x12: {  	s1 =	sld [smem:$0x3F8A];
	s0 =	simm.s32 @p0 $0x1  }
0x13: {  	[smem:$0x3FA5] =	sst s0;
	s0 =	simm.s32 @!p1 $0x0  }
0x14: {  	s2 =	sld [smem:$0x3F89];
	s0 =	simm.s32 @p1 $0x1  }
0x15: {  	[smem:$0x3FA6] =	sst s0;
	s0 =	simm.s32 @!p2 $0x0  }
0x16: {  	s3 =	sld [smem:$0x3FDB];
	s0 =	simm.s32 @p2 $0x1  }
0x17: {  	s4 =	simm.s32 $0x1BF5;
	[smem:$0x3FA8] =	sst s0  }
0x18: {  	s0 =	sld [smem:$0x3F8B];
	_ =	swait.ge [sflag:s4], $0x0  }
0x19: {  	s7 =	sld [smem:$0x3F8C]  }
0x1a: {  	s8 =	sadd.s32 $0xFFFFE003, lr  }
0x1b: {  	s9 =	sadd.s32 $0xFFFFFEF7, lr;
	s5 =	simm.s32 $0xFFFFFFFF;
	p2 =	slt.u32 s8, $0xFFFFF086  }
0x1c: {  	p1 =	slt.u32 s9, $0xF7A;
	s5 =	simm.s32 @!p2 $0x0  }
0x1d: {  	s5 =	simm.s32 @p1 $0x1;
	p0 =	seq.s32 s7, s2  }
0x1e: {  	s7 =	smul.u32 @!p0 $0xF7A, s2;
	p2 =	seq.s32 @!p0 s5, $0x0  }
0x1f: {  	s9 =	smul.u32 $0xF7A, s1;
	s8 =	simm.s32 @!p0 $0x1BF5;
	p2 =	por !p2, p0  }
0x20: {  	[sflag:s8] =	ssyncset.s32 @!p0 $0xFFFFF086;
	s6 =	sadd.s32 @!p0 s3, s7;
	s7 =	simm.s32 @!p0 $0x108  }
0x21: {  	s3 =	sadd.s32 s3, s9;
	s6 =	sadd.s32 @!p0 $0x88, s6;
	s7 =	simm.s32 @p2 $0x1082  }
0x22: {  	[simem:s7], [sflag:s8] =	dma.local @!p0 [hbm:s6], $0xF7A  }
0x23: {  	s9 =	sor.u32 $0xD0000000, s2;
	s6 =	simm.s32 $0x108;
	_ =	swait.ge @!p0 [sflag:s8], $0x0  }
0x24: {  	s3 =	sadd.s32 $0x88, s3;
	s6 =	simm.s32 @!p1 $0x1082;
	[sflag:s4] =	ssyncset.s32 $0xFFFFF086  }
0x25: {  	[simem:s6], [sflag:s4] =	dma.local [hbm:s3], $0xF7A  }
0x26: {  	[smem:$0x3F8C] =	sst s1;
	(tag) =	ssettag s2;
	_ =	strace s9  }
0x27: {  	s1 =	sld [smem:$0x3F9C]  }
0x28: {  	s2 =	sld [smem:$0x3F9D]  }
0x29: {  	s4 =	sld [smem:$0x3F9F]  }
0x2a: {  	p0 =	seq.s32 s5, $0x0;
	s5 =	sld [smem:$0x3FA0]  }
0x2b: {  	s6 =	sld [smem:$0x3FA1]  }
0x2c: {  	s7 =	sld [smem:$0x3FA2]  }
0x2d: {  	s3 =	simm.s32 $0x108;
	s8 =	sld [smem:$0x3FA3]  }
0x2e: {  	s3 =	simm.s32 @!p0 $0x1082;
	s9 =	sld [smem:$0x3FA4]  }
0x2f: {  	lr =	sadd.s32 s0, s3;
	s0 =	sld [smem:$0x3F9B]  }
0x30: {  	s3 =	sld [smem:$0x3F9E]  }
0x31: {  	[smem:$0x3FA7] =	sst s10  }
0x32: {  	s10 =	sld [smem:$0x3FA5];
	_ =	sdelay $0x3  }
0x33: {  	p0 =	seq.s32 s10, $0x1;
	s10 =	sld [smem:$0x3FA7];
	_ =	sdelay $0x3  }
0x34: {  	[smem:$0x3FA7] =	sst s10  }
0x35: {  	s10 =	sld [smem:$0x3FA6];
	_ =	sdelay $0x3  }
0x36: {  	p1 =	seq.s32 s10, $0x1;
	s10 =	sld [smem:$0x3FA7];
	_ =	sdelay $0x3  }
0x37: {  	[smem:$0x3FA7] =	sst s10  }
0x38: {  	s10 =	sld [smem:$0x3FA8]  }
0x39: {  	_ = 	snop;
	(pc) =	sbr.ind lr, $3  }
0x3a: {  	_ = 	snop  }
0x3b: {  	_ = 	snop  }
0x3c: {  	p2 =	seq.s32 s10, $0x1;
	s10 =	sld [smem:$0x3FA7]  }
0x3d: {  	_ =	shalt  }
0x3e: {  	_ =	shalt  }
0x3f: {  	_ =	shalt  }
0x40: {  	_ =	shalt  }
0x41: {  	_ =	shalt  }
0x42: {  	_ =	shalt  }
0x43: {  	_ =	shalt  }
0x44: {  	_ =	shalt  }
0x45: {  	_ =	shalt  }
0x46: {  	_ =	shalt  }
0x47: {  	_ =	shalt  }
0x48: {  	_ =	shalt  }
0x49: {  	_ =	shalt  }
0x4a: {  	_ =	shalt  }
0x4b: {  	_ =	shalt  }
0x4c: {  	_ =	shalt  }
0x4d: {  	_ =	shalt  }
0x4e: {  	_ =	shalt  }
0x4f: {  	_ =	shalt  }
0x50: {  	_ =	shalt  }
0x51: {  	_ =	shalt  }
0x52: {  	_ =	shalt  }
0x53: {  	_ =	shalt  }
0x54: {  	_ =	shalt  }
0x55: {  	_ =	shalt  }
0x56: {  	_ =	shalt  }
0x57: {  	_ =	shalt  }
0x58: {  	_ =	shalt  }
0x59: {  	_ =	shalt  }
0x5a: {  	_ =	shalt  }
0x5b: {  	_ =	shalt  }
0x5c: {  	_ =	shalt  }
0x5d: {  	_ =	shalt  }
0x5e: {  	_ =	shalt  }
0x5f: {  	_ =	shalt  }
0x60: {  	_ =	shalt  }
0x61: {  	_ =	shalt  }
0x62: {  	_ =	shalt  }
0x63: {  	_ =	shalt  }
0x64: {  	_ =	shalt  }
0x65: {  	_ =	shalt  }
0x66: {  	_ =	shalt  }
0x67: {  	_ =	shalt  }
0x68: {  	_ =	shalt  }
0x69: {  	_ =	shalt  }
0x6a: {  	_ =	shalt  }
0x6b: {  	_ =	shalt  }
0x6c: {  	_ =	shalt  }
0x6d: {  	_ =	shalt  }
0x6e: {  	_ =	shalt  }
0x6f: {  	_ =	shalt  }
0x70: {  	_ =	shalt  }
0x71: {  	_ =	shalt  }
0x72: {  	_ =	shalt  }
0x73: {  	_ =	shalt  }
0x74: {  	_ =	shalt  }
0x75: {  	_ =	shalt  }
0x76: {  	_ =	shalt  }
0x77: {  	_ =	shalt  }
0x78: {  	_ =	shalt  }
0x79: {  	_ =	shalt  }
0x7a: {  	_ =	shalt  }
0x7b: {  	_ =	shalt  }
0x7c: {  	_ =	shalt  }
0x7d: {  	_ =	shalt  }
0x7e: {  	_ =	shalt  }
0x7f: {  	_ =	shalt  }
0x80: {  	_ =	shalt  }
0x81: {  	_ =	shalt  }
0x82: {  	_ =	shalt  }
0x83: {  	_ =	shalt  }
0x84: {  	_ =	shalt  }
0x85: {  	_ =	shalt  }
0x86: {  	_ =	shalt  }
0x87: {  	_ =	shalt  }
.Lfunc_end0:
.L_simem_size_0:
called_computation_lowered:
.L_overlay_start_0:
0x88: {  	s2 =	sld [smem:$0x3FD9]  }
0x89: {  	s3 =	sld [smem:$0x3FFE];
	_ =	sdelay $0x1  }
0x8a: {  	s1 =	srdreg.scid  }
0x8b: {  	s0 =	sand.u32 $0x1, s1  }
0x8c: {  	s17 =	sshll.u32 s0, $0xA;
	s2 =	sadd.s32 s3, s2  }
0x8d: {  	s2 =	sadd.s32 s2, s17  }
0x8e: {  	[smem:$0x3FB3] =	sst s2  }
0x8f: {  	_ = 	snop  }
0x90: {  	s2 =	sld [smem:$0x3FD0];
	(tm) =	ssettm $0x1  }
0x91: {  	s18 =	sld [smem:$0x3FFB];
	_ =	sdelay $0x3  }
0x92: {  	_ =	strace s18  }
0x93: {  	s3 =	sld [smem:$0x3FFC];
	_ =	sdelay $0x3  }
0x94: {  	_ =	strace s3  }
0x95: {  	s3 =	sld [smem:$0x3FFD];
	_ =	sdelay $0x3  }
0x96: {  	_ =	strace s3  }
0x97: {  	_ =	strace $0x8FFFFFFF  }
0x98: {  	s19 =	sld [smem:$0x3FDB];
	_ =	sdelay $0x1  }
0x99: {  	s4 =	simm.s32 $_scs_section_size  }
0x9a: {  	s5 =	simm.s32 $_size__tile_overlayer_lowered;
	s6 =	simm.s32 $_tile_overlayer_lowered  }
0x9b: {  	s22 =	simm.s32 $0x1BFF;
	s21 =	sshll.u32 s6, $0x1;
	s3 =	sadd.s32 s4, s19  }
0x9c: {  	s7 =	simm.s32 $0x0;
	s20 =	sshll.u32 s5, $0x1;
	s5 =	sadd.s32 s21, s3  }
0x9d: {  	[timem:s7], [sflag:s22] =	dma.local [hbm:s5], s20  }
0x9e: {  	_ =	swait.ge [sflag:s22], s20  }
0x9f: {  	s4 =	ssub.s32 $0x0, s20;
	[sflag:s22] =	ssyncset.done $0x0  }
0xa0: {  	[sflag:s22] =	ssyncadd.s32 s4;
	_ =	sdelay $0x1  }
0xa1: {  	s23 =	simm.s32 $0x1B8B  }
0xa2: {  	_ =	swait.ge [sflag:s23], $0x1  }
0xa3: {  	[sflag:s23] =	ssyncset.done $0x0  }
0xa4: {  	s25 =	simm.s32 $0x1B8E;
	s24 =	sld [smem:$0x3FFE];
	[sflag:s23] =	ssyncadd.s32 $0xFFFFFFFF  }
0xa5: {  	s26 =	simm.s32 $execute0_lowered;
	[smem:$0x3FD2] =	sst s25  }
0xa6: {  	s5 =	sshll.u32 s26, $0x1;
	_ =	strace $0x80000046;
	[dreg:$0x1] =	wrdreg $0xFFFFFFFF  }
0xa7: {  	s28 =	simm.s32 $_size_execute0_lowered;
	s3 =	sadd.s32 s3, s5;
	[dreg:$0x0] =	wrdreg $0x0  }
0xa8: {  	s5 =	sshll.u32 s28, $0x1;
	[dreg:$0x2] =	wrdreg s3  }
0xa9: {  	[dreg:$0x3] =	wrdreg s5  }
0xaa: {  	[dreg:$0x4] =	wrdreg $0xC0  }
0xab: {  	_ =	task [dreg:s7], $0x5FFFF  }
0xac: {  	[dreg:$0x1] =	wrdreg $0xFFFFFFFF  }
0xad: {  	[dreg:$0x0] =	wrdreg $0x60  }
0xae: {  	[dreg:$0x2] =	wrdreg s2  }
0xaf: {  	[dreg:$0x3] =	wrdreg s24  }
0xb0: {  	[dreg:$0x4] =	wrdreg $0x41000  }
0xb1: {  	[dreg:$0x5] =	wrdreg $0x69000  }
0xb2: {  	[dreg:$0x6] =	wrdreg $0x9  }
0xb3: {  	_ =	task.clear_ibuf [dreg:s7], $0x7FFFF;
	_ =	strace $0x90000046  }
0xb4: {  	s29 =	simm.s32 $0x9;
	_ =	strace $0x80000048  }
0xb5: {  	_ =	swait.ge [sflag:s29], $0x1  }
0xb6: {  	[sflag:s29] =	ssyncadd.s32 $0xFFFFFFFF  }
0xb7: {  	_ =	strace $0x90000048  }
0xb8: {  	_ =	sfence  }
0xb9: {  	s30 =	sld [smem:$0x0];
	_ =	sdelay $0x2  }
0xba: {  	s31 =	sshll.u32 s1, $0xD;
	s1 =	sshrl.u32 s1, $0x2  }
0xbb: {  	s3 =	sand.u32 $0x4000, s31;
	s1 =	sadd.s32 s1, s30  }
0xbc: {  	s0 =	sor.u32 s3, s0;
	s1 =	sshll.u32 s1, $0x11  }
0xbd: {  	s0 =	sor.u32 s1, s0  }
0xbe: {  	s0 =	sadd.s32 $0x8F2B, s0  }
0xbf: {  	[sflag:s0] =	ssyncadd.remote.s32 $0x1  }
0xc0: {  	_ =	sfence.sel $0xFFFF  }
0xc1: {  	[dreg:$0x0] =	wrdreg $0xFFFFFFFF;
	(pc) =	sbr.abs _section_cstart, $3  }
0xc2: {  	[dreg:$0x1] =	wrdreg $0xFFFFFFFF  }
0xc3: {  	_ =	task.clear_ibuf [dreg:s7], $0x2FFFF;
	_ =	strace $0x9FFFFFFF  }
0xc4: {  	(tm) =	ssettm $0x7FFFFFFF  }
0xc5: {  	_ =	shalt  }
tec
execute0_lowered:
.L_overlay_start_1:
0x0: {  	(tag) =	ssettag $0x1  }
0x1: {  	s11 =	rddreg [dreg:$0x0]  }
0x2: {  	s6 =	rddreg [dreg:$0x1]  }
0x3: {  	s2 =	rddreg [dreg:$0x2]  }
0x4: {  	s3 =	rddreg [dreg:$0x3]  }
0x5: {  	s0 =	rddreg [dreg:$0x4]  }
0x6: {  	s1 =	stileid.u32;
	s5 =	srdreg.scid  }
0x7: {  	s4 =	simm.s32 $0x0;
	s18 =	simm.s32 $0x0;
	s12 =	smul.u32 $0xA00, s1  }
0x8: {  	s7 =	smul.u32 $0x14000, s1;
	s8 =	sand.u32 $0x1, s5;
	[smem:$0x7FF] =	sst s4  }
0x9: {  	s5 =	sadd.s32 $0x2E000, s6;
	s31 =	sshll.u32 s1, $0x6;
	s9 =	smul.u32 $0x280000, s8  }
0xa: {  	_ =	strace $0x80000047;
	s14 =	ssub.s32 $0x2, s8;
	s30 =	smul.u32 $0x500, s8  }
0xb: {  	s10 =	sadd.s32 s12, s6;
	s13 =	sshrl.u32 s7, $0x3;
	s15 =	sshrl.u32 s14, $0x1  }
0xc: {  	s16 =	sadd.s32 s7, s2;
	s17 =	sadd.s32 s7, s3;
	s11 =	sadd.s32 s12, s11  }
0xd: {  	s12 =	simm.s32 $0x100;
	s9 =	sadd.s32 s7, s9;
	s13 =	sadd.s32 s13, s6  }
0xe: {  	s14 =	ssub.s32 s14, s15;
	s10 =	sadd.s32 s30, s10;
	s11 =	sadd.s32 s30, s11  }
0xf: {  	s15 =	sshrl.u32 s16, $0x3;
	s16 =	sshrl.u32 s17, $0x3;
	s9 =	sshrl.u32 s9, $0x3  }
0x10: {  	s17 =	simm.s32 $0x80;
	s10 =	sadd.s32 $0x56800, s10;
	s9 =	sadd.s32 s9, s6  }
0x11: {  	s6 =	sadd.s32 $0x6000, s13;
	s13 =	simm.s32 $0x1;
	s7 =	sadd.s32 $0x60800, s9  }
0x12: {  	s8 =	sadd.s32 $0x88800, s9;
	s9 =	smax.u32 s14, $0x1;
	s14 =	sor.u32 $0x1C01, s31  }
.LBB2_1:
0x13: {  	[tilespmem:s12], [sflag:$0x1] =	stream.linear.gather [hbm4b:s5+s4], $0x4000, $0x38;
	[tilespmem:$0x9100] =	vst v63  }
0x14: {  	_ =	swait.ge [sflag:s13], $0x4000  }
0x15: {  	[sflag:s13] =	ssyncset.done $0x0  }
0x16: {  	[sflag:s13] =	ssyncadd.s32 $0xFFFFC000  }
0x17: {  	[spmem:s15], [sflag:s14] =	dma.local [hbm:s6], $0x2800  }
0x18: {  	_ =	swait.ge [sflag:s13], $0x2800  }
0x19: {  	[sflag:s13] =	ssyncset.done $0x0  }
0x1a: {  	[sflag:s13] =	ssyncadd.s32 $0xFFFFD800  }
0x1b: {  	[spmem:s16], [sflag:s14] =	dma.local [hbm:s6], $0x2800  }
0x1c: {  	_ =	swait.ge [sflag:s13], $0x2800  }
0x1d: {  	[sflag:s13] =	ssyncset.done $0x0  }
0x1e: {  	[sflag:s13] =	ssyncadd.s32 $0xFFFFD800  }
0x1f: {  	s19 =	sadd.s32 $0x0, s11;
	[bflag:$0x0] =	sbarrier.arrive $0xFFFF  }
0x20: {  	[tilespmem:s4], [sflag:$0x1] =	stream.linear.gather [hbm4b:s19+s4], $0x80, $0x38;
	[tilespmem:$0x9100] =	vst v63  }
0x21: {  	_ =	swait.ge [sflag:s13], $0x80  }
0x22: {  	[sflag:s13] =	ssyncset.done $0x0  }
0x23: {  	s31 =	sadd.s32 $0x0, s10;
	[sflag:s13] =	ssyncadd.s32 $0xFFFFFF80  }
0x24: {  	[tilespmem:s17], [sflag:$0x1] =	stream.linear.gather [hbm4b:s31+s4], $0x80, $0x38;
	[tilespmem:$0x9100] =	vst v63  }
0x25: {  	_ =	swait.ge [sflag:s13], $0x80  }
0x26: {  	[sflag:s13] =	ssyncset.done $0x0  }
0x27: {  	[sflag:s13] =	ssyncadd.s32 $0xFFFFFF80  }
0x28: {  	[spmem:s2] =	stream.indirect.scatter.add.f32 [tilespmem:s12], [sflag:$0x1], $0x10, s4, s17, $0xb8;
	[tilespmem:$0x9100] =	vst v63  }
0x29: {  	_ =	swait.ge [sflag:s13], $0x800  }
0x2a: {  	[sflag:s13] =	ssyncset.done $0x0  }
0x2b: {  	[sflag:s13] =	ssyncadd.s32 $0xFFFFF800  }
0x2c: {  	[spmem:s3] =	stream.indirect.scatter.add.f32 [tilespmem:s12], [sflag:$0x1], $0x10, s17, s17, $0xb8;
	[tilespmem:$0x9100] =	vst v63  }
0x2d: {  	_ =	swait.ge [sflag:s13], $0x800  }
0x2e: {  	s20 =	simm.s32 $0x20;
	s19 =	simm.s32 $0x10;
	[sflag:s13] =	ssyncset.done $0x0  }
.LBB2_2:
0x2f: {  	s21 =	sadd.s32 s19, s11  }
0x30: {  	[sflag:s13] =	ssyncadd.s32 $0xFFFFF800;
	s22 =	smov.u32 s20;
	s23 =	sadd.s32 $0x10, s20  }
0x31: {  	[tilespmem:s4], [sflag:$0x1] =	stream.linear.gather [hbm4b:s21+s4], $0x80, $0x38;
	[tilespmem:$0x9100] =	vst v63  }
0x32: {  	p0 =	sne.s32 s20, $0x4F0;
	_ =	swait.ge [sflag:s13], $0x80  }
0x33: {  	[sflag:s13] =	ssyncset.done $0x0  }
0x34: {  	s20 =	sadd.s32 s19, s10;
	s19 =	smov.u32 s22;
	[sflag:s13] =	ssyncadd.s32 $0xFFFFFF80  }
0x35: {  	[tilespmem:s17], [sflag:$0x1] =	stream.linear.gather [hbm4b:s20+s4], $0x80, $0x38;
	[tilespmem:$0x9100] =	vst v63  }
0x36: {  	_ =	swait.ge [sflag:s13], $0x80  }
0x37: {  	[sflag:s13] =	ssyncset.done $0x0  }
0x38: {  	[sflag:s13] =	ssyncadd.s32 $0xFFFFFF80  }
0x39: {  	[spmem:s2] =	stream.indirect.scatter.add.f32 [tilespmem:s12], [sflag:$0x1], $0x10, s4, s17, $0xb8;
	[tilespmem:$0x9100] =	vst v63  }
0x3a: {  	_ =	swait.ge [sflag:s13], $0x800  }
.Ltmp0:
0x3b: {  	[sflag:s13] =	ssyncset.done $0x0;
	(pc) =	sbr.rel @p0 .LBB2_2-.Ltmp0, $4  }
0x3c: {  	[sflag:s13] =	ssyncadd.s32 $0xFFFFF800  }
0x3d: {  	[spmem:s3] =	stream.indirect.scatter.add.f32 [tilespmem:s12], [sflag:$0x1], $0x10, s17, s17, $0xb8;
	[tilespmem:$0x9100] =	vst v63  }
0x3e: {  	_ =	swait.ge [sflag:s13], $0x800  }
0x3f: {  	s20 =	smov.u32 s23;
	[sflag:s13] =	ssyncset.done $0x0  }
0x40: {  	s20 =	sadd.s32 s19, s11;
	[sflag:s13] =	ssyncadd.s32 $0xFFFFF800  }
0x41: {  	[tilespmem:s4], [sflag:$0x1] =	stream.linear.gather [hbm4b:s20+s4], $0x80, $0x38;
	[tilespmem:$0x9100] =	vst v63  }
0x42: {  	_ =	swait.ge [sflag:s13], $0x80  }
0x43: {  	[sflag:s13] =	ssyncset.done $0x0  }
0x44: {  	s31 =	sadd.s32 s19, s10;
	[sflag:s13] =	ssyncadd.s32 $0xFFFFFF80  }
0x45: {  	[tilespmem:s17], [sflag:$0x1] =	stream.linear.gather [hbm4b:s31+s4], $0x80, $0x38;
	[tilespmem:$0x9100] =	vst v63  }
0x46: {  	_ =	swait.ge [sflag:s13], $0x80  }
0x47: {  	[sflag:s13] =	ssyncset.done $0x0  }
0x48: {  	[sflag:s13] =	ssyncadd.s32 $0xFFFFFF80  }
0x49: {  	[spmem:s2] =	stream.indirect.scatter.add.f32 [tilespmem:s12], [sflag:$0x1], $0x10, s4, s17, $0xb8;
	[tilespmem:$0x9100] =	vst v63  }
0x4a: {  	_ =	swait.ge [sflag:s13], $0x800  }
0x4b: {  	[sflag:s13] =	ssyncset.done $0x0  }
0x4c: {  	[sflag:s13] =	ssyncadd.s32 $0xFFFFF800  }
0x4d: {  	[spmem:s3] =	stream.indirect.scatter.add.f32 [tilespmem:s12], [sflag:$0x1], $0x10, s17, s17, $0xb8;
	[tilespmem:$0x9100] =	vst v63  }
0x4e: {  	_ =	swait.ge [sflag:s13], $0x800  }
0x4f: {  	[sflag:s13] =	ssyncset.done $0x0  }
0x50: {  	[sflag:s13] =	ssyncadd.s32 $0xFFFFF800  }
0x51: {  	[bflag:$0x0] =	sbarrier.arrive $0xFFFF  }
0x52: {  	[hbm:s7], [sflag:s14] =	dma.local [spmem:s15], $0x2800  }
0x53: {  	s18 =	sadd.s32 $0x1, s18;
	_ =	swait.ge [sflag:s13], $0x2800  }
0x54: {  	p0 =	sne.s32 s18, s9;
	[sflag:s13] =	ssyncset.done $0x0  }
.Ltmp1:
0x55: {  	[sflag:s13] =	ssyncadd.s32 $0xFFFFD800;
	(pc) =	sbr.rel @p0 .LBB2_1-.Ltmp1, $4  }
0x56: {  	[hbm:s8], [sflag:s14] =	dma.local [spmem:s16], $0x2800  }
0x57: {  	_ =	swait.ge [sflag:s13], $0x2800  }
0x58: {  	[sflag:s13] =	ssyncset.done $0x0  }
0x59: {  	[sflag:s13] =	ssyncadd.s32 $0xFFFFD800  }
0x5a: {  	_ =	sfence.sel $0x180000  }
0x5b: {  	[bflag:$0x0] =	sbarrier.arrive $0xFFFF  }
0x5c: {  	p0 =	sne.s32 s1, $0x0;
	_ =	strace $0x90000047  }
0x5d: {  	s0 =	sadd.s32 @!p0 $0x100000, s0;
	[bflag:$0x2] =	sbarrier.arrive $0xFFFF  }
0x5e: {  	[sflag:s0] =	ssyncadd.tile.s32 @!p0 $0x1;
	_ =	shalt  }
.Lfunc_end2:
_tile_overlayer_lowered:
.L_overlay_start_2:
0x5f: {  	(tag) =	ssettag $0x2  }
0x60: {  	s0 =	rddreg [dreg:$0x0];
	s2 =	stileid.u32  }
0x61: {  	s1 =	rddreg [dreg:$0x1];
	p0 =	sne.s32 s2, $0x0  }
0x62: {  	s3 =	rddreg [dreg:$0x2];
	[bflag:$0x3] =	sbarrier.arrive $0xFFFF;
	s2 =	simm.s32 @!p0 $0x1C01  }
0x63: {  	[timem:s3], [sflag:s2] =	dma.local @!p0 [hbm:s0], s1  }
0x64: {  	s0 =	simm.s32 @!p0 $0x1  }
0x65: {  	_ =	swait.ge @!p0 [sflag:s0], s1  }
0x66: {  	s1 =	ssub.s32 @!p0 $0x0, s1;
	[sflag:s0] =	ssyncset.done @!p0 $0x0  }
0x67: {  	[sflag:s0] =	ssyncadd.s32 @!p0 s1  }
0x68: {  	[bflag:$0x3] =	sbarrier.arrive $0xFFFF  }
0x69: {  	_ =	shalt  }

// kernel: kernel.15.cloned.1.call-start
scs
__scs_entry_jumppad:
0x0: {  	(pc) =	sbr.rel $0x88, $3  }
0x1: {  	(tag) =	ssettag $0x0;
	lr =	simm.s32 $0x1  }
0x2: {  	[smem:$0x3F8C] =	sst lr;
	_ =	strace $0xD0000000  }
0x3: {  	_ = 	snop  }
0x4: {  	_ = 	snop  }
0x5: {  	_ = 	snop  }
0x6: {  	_ = 	snop  }
0x7: {  	_ = 	snop  }
__scs_overlays_trampoline_lowered:
0x8: {  	[smem:$0x3F9B] =	sst s0  }
0x9: {  	[smem:$0x3F9C] =	sst s1  }
0xa: {  	[smem:$0x3F9D] =	sst s2  }
0xb: {  	[smem:$0x3F9E] =	sst s3  }
0xc: {  	[smem:$0x3F9F] =	sst s4  }
0xd: {  	[smem:$0x3FA0] =	sst s5  }
0xe: {  	[smem:$0x3FA1] =	sst s6  }
0xf: {  	[smem:$0x3FA2] =	sst s7  }
0x10: {  	[smem:$0x3FA3] =	sst s8  }
0x11: {  	[smem:$0x3FA4] =	sst s9;
	s0 =	simm.s32 @!p0 $0x0  }
0x12: {  	s1 =	sld [smem:$0x3F8A];
	s0 =	simm.s32 @p0 $0x1  }
0x13: {  	[smem:$0x3FA5] =	sst s0;
	s0 =	simm.s32 @!p1 $0x0  }
0x14: {  	s2 =	sld [smem:$0x3F89];
	s0 =	simm.s32 @p1 $0x1  }
0x15: {  	[smem:$0x3FA6] =	sst s0;
	s0 =	simm.s32 @!p2 $0x0  }
0x16: {  	s3 =	sld [smem:$0x3FDB];
	s0 =	simm.s32 @p2 $0x1  }
0x17: {  	s4 =	simm.s32 $0x1BF5;
	[smem:$0x3FA8] =	sst s0  }
0x18: {  	s0 =	sld [smem:$0x3F8B];
	_ =	swait.ge [sflag:s4], $0x0  }
0x19: {  	s7 =	sld [smem:$0x3F8C]  }
0x1a: {  	s8 =	sadd.s32 $0xFFFFE003, lr  }
0x1b: {  	s9 =	sadd.s32 $0xFFFFFEF7, lr;
	s5 =	simm.s32 $0xFFFFFFFF;
	p2 =	slt.u32 s8, $0xFFFFF086  }
0x1c: {  	p1 =	slt.u32 s9, $0xF7A;
	s5 =	simm.s32 @!p2 $0x0  }
0x1d: {  	s5 =	simm.s32 @p1 $0x1;
	p0 =	seq.s32 s7, s2  }
0x1e: {  	s7 =	smul.u32 @!p0 $0xF7A, s2;
	p2 =	seq.s32 @!p0 s5, $0x0  }
0x1f: {  	s9 =	smul.u32 $0xF7A, s1;
	s8 =	simm.s32 @!p0 $0x1BF5;
	p2 =	por !p2, p0  }
0x20: {  	[sflag:s8] =	ssyncset.s32 @!p0 $0xFFFFF086;
	s6 =	sadd.s32 @!p0 s3, s7;
	s7 =	simm.s32 @!p0 $0x108  }
0x21: {  	s3 =	sadd.s32 s3, s9;
	s6 =	sadd.s32 @!p0 $0x88, s6;
	s7 =	simm.s32 @p2 $0x1082  }
0x22: {  	[simem:s7], [sflag:s8] =	dma.local @!p0 [hbm:s6], $0xF7A  }
0x23: {  	s9 =	sor.u32 $0xD0000000, s2;
	s6 =	simm.s32 $0x108;
	_ =	swait.ge @!p0 [sflag:s8], $0x0  }
0x24: {  	s3 =	sadd.s32 $0x88, s3;
	s6 =	simm.s32 @!p1 $0x1082;
	[sflag:s4] =	ssyncset.s32 $0xFFFFF086  }
0x25: {  	[simem:s6], [sflag:s4] =	dma.local [hbm:s3], $0xF7A  }
0x26: {  	[smem:$0x3F8C] =	sst s1;
	(tag) =	ssettag s2;
	_ =	strace s9  }
0x27: {  	s1 =	sld [smem:$0x3F9C]  }
0x28: {  	s2 =	sld [smem:$0x3F9D]  }
0x29: {  	s4 =	sld [smem:$0x3F9F]  }
0x2a: {  	p0 =	seq.s32 s5, $0x0;
	s5 =	sld [smem:$0x3FA0]  }
0x2b: {  	s6 =	sld [smem:$0x3FA1]  }
0x2c: {  	s7 =	sld [smem:$0x3FA2]  }
0x2d: {  	s3 =	simm.s32 $0x108;
	s8 =	sld [smem:$0x3FA3]  }
0x2e: {  	s3 =	simm.s32 @!p0 $0x1082;
	s9 =	sld [smem:$0x3FA4]  }
0x2f: {  	lr =	sadd.s32 s0, s3;
	s0 =	sld [smem:$0x3F9B]  }
0x30: {  	s3 =	sld [smem:$0x3F9E]  }
0x31: {  	[smem:$0x3FA7] =	sst s10  }
0x32: {  	s10 =	sld [smem:$0x3FA5];
	_ =	sdelay $0x3  }
0x33: {  	p0 =	seq.s32 s10, $0x1;
	s10 =	sld [smem:$0x3FA7];
	_ =	sdelay $0x3  }
0x34: {  	[smem:$0x3FA7] =	sst s10  }
0x35: {  	s10 =	sld [smem:$0x3FA6];
	_ =	sdelay $0x3  }
0x36: {  	p1 =	seq.s32 s10, $0x1;
	s10 =	sld [smem:$0x3FA7];
	_ =	sdelay $0x3  }
0x37: {  	[smem:$0x3FA7] =	sst s10  }
0x38: {  	s10 =	sld [smem:$0x3FA8]  }
0x39: {  	_ = 	snop;
	(pc) =	sbr.ind lr, $3  }
0x3a: {  	_ = 	snop  }
0x3b: {  	_ = 	snop  }
0x3c: {  	p2 =	seq.s32 s10, $0x1;
	s10 =	sld [smem:$0x3FA7]  }
0x3d: {  	_ =	shalt  }
0x3e: {  	_ =	shalt  }
0x3f: {  	_ =	shalt  }
0x40: {  	_ =	shalt  }
0x41: {  	_ =	shalt  }
0x42: {  	_ =	shalt  }
0x43: {  	_ =	shalt  }
0x44: {  	_ =	shalt  }
0x45: {  	_ =	shalt  }
0x46: {  	_ =	shalt  }
0x47: {  	_ =	shalt  }
0x48: {  	_ =	shalt  }
0x49: {  	_ =	shalt  }
0x4a: {  	_ =	shalt  }
0x4b: {  	_ =	shalt  }
0x4c: {  	_ =	shalt  }
0x4d: {  	_ =	shalt  }
0x4e: {  	_ =	shalt  }
0x4f: {  	_ =	shalt  }
0x50: {  	_ =	shalt  }
0x51: {  	_ =	shalt  }
0x52: {  	_ =	shalt  }
0x53: {  	_ =	shalt  }
0x54: {  	_ =	shalt  }
0x55: {  	_ =	shalt  }
0x56: {  	_ =	shalt  }
0x57: {  	_ =	shalt  }
0x58: {  	_ =	shalt  }
0x59: {  	_ =	shalt  }
0x5a: {  	_ =	shalt  }
0x5b: {  	_ =	shalt  }
0x5c: {  	_ =	shalt  }
0x5d: {  	_ =	shalt  }
0x5e: {  	_ =	shalt  }
0x5f: {  	_ =	shalt  }
0x60: {  	_ =	shalt  }
0x61: {  	_ =	shalt  }
0x62: {  	_ =	shalt  }
0x63: {  	_ =	shalt  }
0x64: {  	_ =	shalt  }
0x65: {  	_ =	shalt  }
0x66: {  	_ =	shalt  }
0x67: {  	_ =	shalt  }
0x68: {  	_ =	shalt  }
0x69: {  	_ =	shalt  }
0x6a: {  	_ =	shalt  }
0x6b: {  	_ =	shalt  }
0x6c: {  	_ =	shalt  }
0x6d: {  	_ =	shalt  }
0x6e: {  	_ =	shalt  }
0x6f: {  	_ =	shalt  }
0x70: {  	_ =	shalt  }
0x71: {  	_ =	shalt  }
0x72: {  	_ =	shalt  }
0x73: {  	_ =	shalt  }
0x74: {  	_ =	shalt  }
0x75: {  	_ =	shalt  }
0x76: {  	_ =	shalt  }
0x77: {  	_ =	shalt  }
0x78: {  	_ =	shalt  }
0x79: {  	_ =	shalt  }
0x7a: {  	_ =	shalt  }
0x7b: {  	_ =	shalt  }
0x7c: {  	_ =	shalt  }
0x7d: {  	_ =	shalt  }
0x7e: {  	_ =	shalt  }
0x7f: {  	_ =	shalt  }
0x80: {  	_ =	shalt  }
0x81: {  	_ =	shalt  }
0x82: {  	_ =	shalt  }
0x83: {  	_ =	shalt  }
0x84: {  	_ =	shalt  }
0x85: {  	_ =	shalt  }
0x86: {  	_ =	shalt  }
0x87: {  	_ =	shalt  }
.Lfunc_end0:
.L_simem_size_0:
called_computation.1_lowered:
.L_overlay_start_0:
0x88: {  	s2 =	sld [smem:$0x3FD9]  }
0x89: {  	s3 =	sld [smem:$0x3FFE];
	_ =	sdelay $0x1  }
0x8a: {  	s1 =	srdreg.scid  }
0x8b: {  	s0 =	sand.u32 $0x1, s1  }
0x8c: {  	s17 =	sshll.u32 s0, $0xA;
	s2 =	sadd.s32 s3, s2  }
0x8d: {  	s2 =	sadd.s32 s2, s17  }
0x8e: {  	[smem:$0x3FB3] =	sst s2  }
0x8f: {  	_ = 	snop  }
0x90: {  	s2 =	sld [smem:$0x3FD0];
	(tm) =	ssettm $0x1  }
0x91: {  	s18 =	sld [smem:$0x3FFB];
	_ =	sdelay $0x3  }
0x92: {  	_ =	strace s18  }
0x93: {  	s3 =	sld [smem:$0x3FFC];
	_ =	sdelay $0x3  }
0x94: {  	_ =	strace s3  }
0x95: {  	s3 =	sld [smem:$0x3FFD];
	_ =	sdelay $0x3  }
0x96: {  	_ =	strace s3  }
0x97: {  	_ =	strace $0x8FFFFFFF  }
0x98: {  	s19 =	sld [smem:$0x3FDB];
	_ =	sdelay $0x1  }
0x99: {  	s4 =	simm.s32 $_scs_section_size  }
0x9a: {  	s5 =	simm.s32 $_size__tile_overlayer_lowered;
	s6 =	simm.s32 $_tile_overlayer_lowered  }
0x9b: {  	s22 =	simm.s32 $0x1BFF;
	s21 =	sshll.u32 s6, $0x1;
	s3 =	sadd.s32 s4, s19  }
0x9c: {  	s7 =	simm.s32 $0x0;
	s20 =	sshll.u32 s5, $0x1;
	s5 =	sadd.s32 s21, s3  }
0x9d: {  	[timem:s7], [sflag:s22] =	dma.local [hbm:s5], s20  }
0x9e: {  	_ =	swait.ge [sflag:s22], s20  }
0x9f: {  	s4 =	ssub.s32 $0x0, s20;
	[sflag:s22] =	ssyncset.done $0x0  }
0xa0: {  	[sflag:s22] =	ssyncadd.s32 s4;
	_ =	sdelay $0x1  }
0xa1: {  	s23 =	simm.s32 $0x1B8B  }
0xa2: {  	_ =	swait.ge [sflag:s23], $0x1  }
0xa3: {  	[sflag:s23] =	ssyncset.done $0x0  }
0xa4: {  	s25 =	simm.s32 $0x1B8E;
	s24 =	sld [smem:$0x3FFE];
	[sflag:s23] =	ssyncadd.s32 $0xFFFFFFFF  }
0xa5: {  	s26 =	simm.s32 $execute0_lowered;
	[smem:$0x3FD2] =	sst s25  }
0xa6: {  	s5 =	sshll.u32 s26, $0x1;
	_ =	strace $0x80000049;
	[dreg:$0x1] =	wrdreg $0xFFFFFFFF  }
0xa7: {  	s28 =	simm.s32 $_size_execute0_lowered;
	s3 =	sadd.s32 s3, s5;
	[dreg:$0x0] =	wrdreg $0x0  }
0xa8: {  	s5 =	sshll.u32 s28, $0x1;
	[dreg:$0x2] =	wrdreg s3  }
0xa9: {  	[dreg:$0x3] =	wrdreg s5  }
0xaa: {  	[dreg:$0x4] =	wrdreg $0xC0  }
0xab: {  	_ =	task [dreg:s7], $0x5FFFF  }
0xac: {  	[dreg:$0x1] =	wrdreg $0xFFFFFFFF  }
0xad: {  	[dreg:$0x0] =	wrdreg $0x60  }
0xae: {  	[dreg:$0x2] =	wrdreg s24  }
0xaf: {  	[dreg:$0x3] =	wrdreg s2  }
0xb0: {  	[dreg:$0x4] =	wrdreg $0x81000  }
0xb1: {  	[dreg:$0x5] =	wrdreg $0x9  }
0xb2: {  	_ =	task.clear_ibuf [dreg:s7], $0x6FFFF;
	_ =	strace $0x90000049  }
0xb3: {  	s29 =	simm.s32 $0x9;
	_ =	strace $0x8000004B  }
0xb4: {  	_ =	swait.ge [sflag:s29], $0x1  }
0xb5: {  	[sflag:s29] =	ssyncadd.s32 $0xFFFFFFFF  }
0xb6: {  	_ =	strace $0x9000004B  }
0xb7: {  	_ =	sfence  }
0xb8: {  	s30 =	sld [smem:$0x0];
	_ =	sdelay $0x2  }
0xb9: {  	s31 =	sshll.u32 s1, $0xD;
	s1 =	sshrl.u32 s1, $0x2  }
0xba: {  	s3 =	sand.u32 $0x4000, s31;
	s1 =	sadd.s32 s1, s30  }
0xbb: {  	s0 =	sor.u32 s3, s0;
	s1 =	sshll.u32 s1, $0x11  }
0xbc: {  	s0 =	sor.u32 s1, s0  }
0xbd: {  	s0 =	sadd.s32 $0x8F2B, s0  }
0xbe: {  	[sflag:s0] =	ssyncadd.remote.s32 $0x1  }
0xbf: {  	_ =	sfence.sel $0xFFFF  }
0xc0: {  	[dreg:$0x0] =	wrdreg $0xFFFFFFFF;
	(pc) =	sbr.abs _section_cstart, $3  }
0xc1: {  	[dreg:$0x1] =	wrdreg $0xFFFFFFFF  }
0xc2: {  	_ =	task.clear_ibuf [dreg:s7], $0x2FFFF;
	_ =	strace $0x9FFFFFFF  }
0xc3: {  	(tm) =	ssettm $0x7FFFFFFF  }
tec
execute0_lowered:
.L_overlay_start_1:
0x0: {  	(tag) =	ssettag $0x1  }
0x1: {  	s7 =	rddreg [dreg:$0x0]  }
0x2: {  	s14 =	rddreg [dreg:$0x1];
	s1 =	srdreg.scid  }
0x3: {  	s0 =	stileid.u32;
	s2 =	rddreg [dreg:$0x2]  }
0x4: {  	s3 =	simm.s32 $0x0;
	s18 =	simm.s32 $0x100;
	s4 =	smul.u32 $0x5000, s0  }
0x5: {  	s19 =	simm.s32 $0x4100;
	s20 =	simm.s32 $0x1;
	s9 =	smul.u32 $0x14000, s0  }
0x6: {  	s8 =	sand.u32 $0x1, s1;
	s1 =	rddreg [dreg:$0x3];
	s26 =	smul.u32 $0x50000, s0  }
0x7: {  	s21 =	simm.s32 $0x0;
	[smem:$0x7FF] =	sst s3;
	s5 =	smul.u32 $0x2800, s8  }
0x8: {  	s6 =	sadd.s32 $0x151000, s7;
	s31 =	sshll.u32 s0, $0x6;
	s10 =	smul.u32 $0x140000, s8  }
0x9: {  	_ =	strace $0x8000004A;
	s12 =	ssub.s32 $0x2, s8;
	s30 =	smul.u32 $0x28000, s8  }
0xa: {  	s8 =	sor.u32 $0x1C02, s31;
	s11 =	sshrl.u32 s9, $0x3;
	s16 =	sadd.s32 s26, s7  }
0xb: {  	s28 =	sshrl.u32 s12, $0x1;
	s29 =	sshrl.u32 s26, $0x2;
	s5 =	sadd.s32 s5, s4  }
0xc: {  	s4 =	sadd.s32 $0x60800, s7;
	s9 =	sadd.s32 s9, s10;
	s11 =	sadd.s32 s11, s7  }
0xd: {  	s12 =	ssub.s32 s12, s28;
	s17 =	sadd.s32 s29, s2;
	s16 =	sadd.s32 s30, s16  }
0xe: {  	s15 =	sshrl.u32 s5, $0x3;
	s5 =	sadd.s32 $0x129000, s7;
	s9 =	sshrl.u32 s9, $0x3  }
0xf: {  	s10 =	smax.u32 s12, $0x1;
	s12 =	sadd.s32 $0x679000, s16;
	s13 =	sadd.s32 s15, s7  }
0x10: {  	s9 =	sadd.s32 s9, s7;
	s7 =	sadd.s32 $0x2E800, s11;
	s11 =	sadd.s32 $0x179000, s16  }
0x11: {  	s14 =	sadd.s32 s15, s14;
	s15 =	sshrl.u32 s17, $0x3;
	s16 =	simm.s32 $0x2  }
0x12: {  	s17 =	simm.s32 $0x80;
	s9 =	sadd.s32 $0x88800, s9;
	s13 =	sadd.s32 $0x56800, s13  }
.LBB2_1:
0x13: {  	[spmem:s15], [sflag:s8] =	dma.local [hbm:s7], $0x2800  }
0x14: {  	_ =	swait.ge [sflag:s16], $0x2800  }
0x15: {  	[sflag:s16] =	ssyncset.done $0x0  }
0x16: {  	[sflag:s16] =	ssyncadd.s32 $0xFFFFD800  }
0x17: {  	s22 =	sadd.s32 $0x0, s14;
	[bflag:$0x0] =	sbarrier.arrive $0xFFFF  }
0x18: {  	[tilespmem:s3], [sflag:$0x2] =	stream.linear.gather [hbm4b:s22+s3], $0x80, $0x38;
	[tilespmem:$0x1C100] =	vst v63  }
0x19: {  	_ =	swait.ge [sflag:s16], $0x80  }
0x1a: {  	[sflag:s16] =	ssyncset.done $0x0  }
0x1b: {  	s31 =	sadd.s32 $0x0, s13;
	[sflag:s16] =	ssyncadd.s32 $0xFFFFFF80  }
0x1c: {  	[tilespmem:s17], [sflag:$0x2] =	stream.linear.gather [hbm4b:s31+s3], $0x80, $0x38;
	[tilespmem:$0x1C100] =	vst v63  }
0x1d: {  	_ =	swait.ge [sflag:s16], $0x80  }
0x1e: {  	[sflag:s16] =	ssyncset.done $0x0  }
0x1f: {  	[sflag:s16] =	ssyncadd.s32 $0xFFFFFF80  }
0x20: {  	[tilespmem:s18], [sflag:$0x1] =	stream.indirect.gather [hbm4b:s4+s17], $0x80, s3, s17, $0xb8;
	[tilespmem:$0x1C100] =	vst v63  }
0x21: {  	_ = 	snop  }
0x22: {  	[tilespmem:s19], [sflag:$0x1] =	stream.indirect.gather [hbm4b:s5+s17], $0x80, s17, s17, $0xb8;
	[tilespmem:$0x1C100] =	vst v63  }
0x23: {  	_ =	swait.ge [sflag:s20], $0x4000  }
0x24: {  	[sflag:s20] =	ssyncset.done $0x0  }
0x25: {  	[sflag:s20] =	ssyncadd.s32 $0xFFFFC000  }
0x26: {  	[hbm4b:s11+s3] =	stream.linear.scatter [tilespmem:s19], [sflag:$0x2], $0x4000, $0x38;
	[tilespmem:$0x1C100] =	vst v63  }
0x27: {  	_ =	swait.ge [sflag:s16], $0x4000  }
0x28: {  	[sflag:s16] =	ssyncset.done $0x0  }
0x29: {  	[sflag:s16] =	ssyncadd.s32 $0xFFFFC000  }
0x2a: {  	[tilespmem:s19], [sflag:$0x1] =	stream.indirect.gather [hbm4b:s6+s17], $0x80, s3, s17, $0xb8;
	[tilespmem:$0x1C100] =	vst v63  }
0x2b: {  	_ =	swait.ge [sflag:s20], $0x4000  }
0x2c: {  	[sflag:s20] =	ssyncset.done $0x0  }
0x2d: {  	[sflag:s20] =	ssyncadd.s32 $0xFFFFC000  }
0x2e: {  	[hbm4b:s12+s3] =	stream.linear.scatter [tilespmem:s19], [sflag:$0x2], $0x4000, $0x38;
	[tilespmem:$0x1C100] =	vst v63  }
0x2f: {  	_ =	swait.ge [sflag:s16], $0x4000  }
0x30: {  	[sflag:s16] =	ssyncset.done $0x0  }
0x31: {  	[sflag:s16] =	ssyncadd.s32 $0xFFFFC000  }
0x32: {  	_ =	swait.ge [sflag:s20], $0x4000  }
0x33: {  	[sflag:s20] =	ssyncset.done $0x0  }
0x34: {  	[sflag:s20] =	ssyncadd.s32 $0xFFFFC000  }
0x35: {  	[spmem:s2] =	stream.indirect.scatter.add.f32 [tilespmem:s18], [sflag:$0x2], $0x80, s17, s17, $0xb8;
	[tilespmem:$0x1C100] =	vst v63  }
0x36: {  	s24 =	simm.s32 $0x10;
	s26 =	simm.s32 $0x20;
	_ =	swait.ge [sflag:s16], $0x4000  }
0x37: {  	s23 =	sadd.s32 $0x800, s11;
	s22 =	sadd.s32 $0x800, s12;
	[sflag:s16] =	ssyncset.done $0x0  }
.LBB2_2:
0x38: {  	s28 =	sadd.s32 s24, s14  }
0x39: {  	[sflag:s16] =	ssyncadd.s32 $0xFFFFC000;
	s29 =	smov.u32 s26;
	s25 =	sadd.s32 $0x10, s26  }
0x3a: {  	[tilespmem:s3], [sflag:$0x2] =	stream.linear.gather [hbm4b:s28+s3], $0x80, $0x38;
	[tilespmem:$0x1C100] =	vst v63  }
0x3b: {  	p0 =	sne.s32 s26, $0x4F0;
	_ =	swait.ge [sflag:s16], $0x80  }
0x3c: {  	[sflag:s16] =	ssyncset.done $0x0  }
0x3d: {  	s26 =	sadd.s32 s24, s13;
	s24 =	smov.u32 s29;
	[sflag:s16] =	ssyncadd.s32 $0xFFFFFF80  }
0x3e: {  	[tilespmem:s17], [sflag:$0x2] =	stream.linear.gather [hbm4b:s26+s3], $0x80, $0x38;
	[tilespmem:$0x1C100] =	vst v63  }
0x3f: {  	_ =	swait.ge [sflag:s16], $0x80  }
0x40: {  	[sflag:s16] =	ssyncset.done $0x0  }
0x41: {  	[sflag:s16] =	ssyncadd.s32 $0xFFFFFF80  }
0x42: {  	[tilespmem:s18], [sflag:$0x1] =	stream.indirect.gather [hbm4b:s4+s17], $0x80, s3, s17, $0xb8;
	[tilespmem:$0x1C100] =	vst v63  }
0x43: {  	_ = 	snop  }
0x44: {  	[tilespmem:s19], [sflag:$0x1] =	stream.indirect.gather [hbm4b:s5+s17], $0x80, s17, s17, $0xb8;
	[tilespmem:$0x1C100] =	vst v63  }
0x45: {  	_ =	swait.ge [sflag:s20], $0x4000  }
0x46: {  	[sflag:s20] =	ssyncset.done $0x0  }
0x47: {  	[sflag:s20] =	ssyncadd.s32 $0xFFFFC000  }
0x48: {  	[hbm4b:s23+s3] =	stream.linear.scatter [tilespmem:s19], [sflag:$0x2], $0x4000, $0x38;
	[tilespmem:$0x1C100] =	vst v63  }
0x49: {  	_ =	swait.ge [sflag:s16], $0x4000  }
0x4a: {  	[sflag:s16] =	ssyncset.done $0x0  }
0x4b: {  	[sflag:s16] =	ssyncadd.s32 $0xFFFFC000  }
0x4c: {  	[tilespmem:s19], [sflag:$0x1] =	stream.indirect.gather [hbm4b:s6+s17], $0x80, s3, s17, $0xb8;
	[tilespmem:$0x1C100] =	vst v63  }
0x4d: {  	_ =	swait.ge [sflag:s20], $0x4000  }
0x4e: {  	[sflag:s20] =	ssyncset.done $0x0  }
0x4f: {  	[sflag:s20] =	ssyncadd.s32 $0xFFFFC000  }
0x50: {  	[hbm4b:s22+s3] =	stream.linear.scatter [tilespmem:s19], [sflag:$0x2], $0x4000, $0x38;
	[tilespmem:$0x1C100] =	vst v63  }
0x51: {  	_ =	swait.ge [sflag:s16], $0x4000  }
0x52: {  	[sflag:s16] =	ssyncset.done $0x0  }
0x53: {  	[sflag:s16] =	ssyncadd.s32 $0xFFFFC000  }
0x54: {  	_ =	swait.ge [sflag:s20], $0x4000  }
.Ltmp0:
0x55: {  	[sflag:s20] =	ssyncset.done $0x0;
	(pc) =	sbr.rel @p0 .LBB2_2-.Ltmp0, $4  }
0x56: {  	[sflag:s20] =	ssyncadd.s32 $0xFFFFC000  }
0x57: {  	[spmem:s2] =	stream.indirect.scatter.add.f32 [tilespmem:s18], [sflag:$0x2], $0x80, s17, s17, $0xb8;
	[tilespmem:$0x1C100] =	vst v63  }
0x58: {  	s26 =	smov.u32 s25;
	_ =	swait.ge [sflag:s16], $0x4000  }
0x59: {  	s23 =	sadd.s32 $0x800, s23;
	s22 =	sadd.s32 $0x800, s22;
	[sflag:s16] =	ssyncset.done $0x0  }
0x5a: {  	s25 =	sadd.s32 s24, s14;
	[sflag:s16] =	ssyncadd.s32 $0xFFFFC000  }
0x5b: {  	[tilespmem:s3], [sflag:$0x2] =	stream.linear.gather [hbm4b:s25+s3], $0x80, $0x38;
	[tilespmem:$0x1C100] =	vst v63  }
0x5c: {  	_ =	swait.ge [sflag:s16], $0x80  }
0x5d: {  	[sflag:s16] =	ssyncset.done $0x0  }
0x5e: {  	s31 =	sadd.s32 s24, s13;
	[sflag:s16] =	ssyncadd.s32 $0xFFFFFF80  }
0x5f: {  	[tilespmem:s17], [sflag:$0x2] =	stream.linear.gather [hbm4b:s31+s3], $0x80, $0x38;
	[tilespmem:$0x1C100] =	vst v63  }
0x60: {  	_ =	swait.ge [sflag:s16], $0x80  }
0x61: {  	[sflag:s16] =	ssyncset.done $0x0  }
0x62: {  	[sflag:s16] =	ssyncadd.s32 $0xFFFFFF80  }
0x63: {  	[tilespmem:s18], [sflag:$0x1] =	stream.indirect.gather [hbm4b:s4+s17], $0x80, s3, s17, $0xb8;
	[tilespmem:$0x1C100] =	vst v63  }
0x64: {  	_ = 	snop  }
0x65: {  	[tilespmem:s19], [sflag:$0x1] =	stream.indirect.gather [hbm4b:s5+s17], $0x80, s17, s17, $0xb8;
	[tilespmem:$0x1C100] =	vst v63  }
0x66: {  	_ =	swait.ge [sflag:s20], $0x4000  }
0x67: {  	[sflag:s20] =	ssyncset.done $0x0  }
0x68: {  	[sflag:s20] =	ssyncadd.s32 $0xFFFFC000  }
0x69: {  	[hbm4b:s23+s3] =	stream.linear.scatter [tilespmem:s19], [sflag:$0x2], $0x4000, $0x38;
	[tilespmem:$0x1C100] =	vst v63  }
0x6a: {  	_ =	swait.ge [sflag:s16], $0x4000  }
0x6b: {  	[sflag:s16] =	ssyncset.done $0x0  }
0x6c: {  	[sflag:s16] =	ssyncadd.s32 $0xFFFFC000  }
0x6d: {  	[tilespmem:s19], [sflag:$0x1] =	stream.indirect.gather [hbm4b:s6+s17], $0x80, s3, s17, $0xb8;
	[tilespmem:$0x1C100] =	vst v63  }
0x6e: {  	_ =	swait.ge [sflag:s20], $0x4000  }
0x6f: {  	[sflag:s20] =	ssyncset.done $0x0  }
0x70: {  	[sflag:s20] =	ssyncadd.s32 $0xFFFFC000  }
0x71: {  	[hbm4b:s22+s3] =	stream.linear.scatter [tilespmem:s19], [sflag:$0x2], $0x4000, $0x38;
	[tilespmem:$0x1C100] =	vst v63  }
0x72: {  	_ =	swait.ge [sflag:s16], $0x4000  }
0x73: {  	[sflag:s16] =	ssyncset.done $0x0  }
0x74: {  	[sflag:s16] =	ssyncadd.s32 $0xFFFFC000  }
0x75: {  	_ =	swait.ge [sflag:s20], $0x4000  }
0x76: {  	[sflag:s20] =	ssyncset.done $0x0  }
0x77: {  	[sflag:s20] =	ssyncadd.s32 $0xFFFFC000  }
0x78: {  	[spmem:s2] =	stream.indirect.scatter.add.f32 [tilespmem:s18], [sflag:$0x2], $0x80, s17, s17, $0xb8;
	[tilespmem:$0x1C100] =	vst v63  }
0x79: {  	_ =	swait.ge [sflag:s16], $0x4000  }
0x7a: {  	s21 =	sadd.s32 $0x1, s21;
	[sflag:s16] =	ssyncset.done $0x0  }
0x7b: {  	p0 =	sne.s32 s21, s10;
	[sflag:s16] =	ssyncadd.s32 $0xFFFFC000  }
.Ltmp1:
0x7c: {  	[bflag:$0x0] =	sbarrier.arrive $0xFFFF;
	(pc) =	sbr.rel @p0 .LBB2_1-.Ltmp1, $4  }
0x7d: {  	[hbm:s9], [sflag:s8] =	dma.local [spmem:s15], $0x2800  }
0x7e: {  	_ =	swait.ge [sflag:s16], $0x2800  }
0x7f: {  	[sflag:s16] =	ssyncset.done $0x0  }
0x80: {  	[sflag:s16] =	ssyncadd.s32 $0xFFFFD800  }
0x81: {  	_ =	sfence.sel $0x180000  }
0x82: {  	[bflag:$0x0] =	sbarrier.arrive $0xFFFF  }
0x83: {  	p0 =	sne.s32 s0, $0x0;
	_ =	strace $0x9000004A  }
0x84: {  	s0 =	sadd.s32 @!p0 $0x100000, s1;
	[bflag:$0x2] =	sbarrier.arrive $0xFFFF  }
0x85: {  	[sflag:s0] =	ssyncadd.tile.s32 @!p0 $0x1;
	_ =	shalt  }
.Lfunc_end2:
_tile_overlayer_lowered:
.L_overlay_start_2:
0x86: {  	(tag) =	ssettag $0x2  }
0x87: {  	s0 =	rddreg [dreg:$0x0];
	s2 =	stileid.u32  }
0x88: {  	s1 =	rddreg [dreg:$0x1];
	p0 =	sne.s32 s2, $0x0  }
0x89: {  	s3 =	rddreg [dreg:$0x2];
	[bflag:$0x3] =	sbarrier.arrive $0xFFFF;
	s2 =	simm.s32 @!p0 $0x1C02  }
0x8a: {  	[timem:s3], [sflag:s2] =	dma.local @!p0 [hbm:s0], s1  }
0x8b: {  	s0 =	simm.s32 @!p0 $0x2  }
0x8c: {  	_ =	swait.ge @!p0 [sflag:s0], s1  }
0x8d: {  	s1 =	ssub.s32 @!p0 $0x0, s1;
	[sflag:s0] =	ssyncset.done @!p0 $0x0  }
0x8e: {  	[sflag:s0] =	ssyncadd.s32 @!p0 s1  }
0x8f: {  	[bflag:$0x3] =	sbarrier.arrive $0xFFFF  }
0x90: {  	_ =	shalt  }

// kernel: kernel.18.cloned.1.call-start
scs
__scs_entry_jumppad:
0x0: {  	(pc) =	sbr.rel $0x88, $3  }
0x1: {  	(tag) =	ssettag $0x0;
	lr =	simm.s32 $0x1  }
0x2: {  	[smem:$0x3F8C] =	sst lr;
	_ =	strace $0xD0000000  }
0x3: {  	_ = 	snop  }
0x4: {  	_ = 	snop  }
0x5: {  	_ = 	snop  }
0x6: {  	_ = 	snop  }
0x7: {  	_ = 	snop  }
__scs_overlays_trampoline_lowered:
0x8: {  	[smem:$0x3F9B] =	sst s0  }
0x9: {  	[smem:$0x3F9C] =	sst s1  }
0xa: {  	[smem:$0x3F9D] =	sst s2  }
0xb: {  	[smem:$0x3F9E] =	sst s3  }
0xc: {  	[smem:$0x3F9F] =	sst s4  }
0xd: {  	[smem:$0x3FA0] =	sst s5  }
0xe: {  	[smem:$0x3FA1] =	sst s6  }
0xf: {  	[smem:$0x3FA2] =	sst s7  }
0x10: {  	[smem:$0x3FA3] =	sst s8  }
0x11: {  	[smem:$0x3FA4] =	sst s9;
	s0 =	simm.s32 @!p0 $0x0  }
0x12: {  	s1 =	sld [smem:$0x3F8A];
	s0 =	simm.s32 @p0 $0x1  }
0x13: {  	[smem:$0x3FA5] =	sst s0;
	s0 =	simm.s32 @!p1 $0x0  }
0x14: {  	s2 =	sld [smem:$0x3F89];
	s0 =	simm.s32 @p1 $0x1  }
0x15: {  	[smem:$0x3FA6] =	sst s0;
	s0 =	simm.s32 @!p2 $0x0  }
0x16: {  	s3 =	sld [smem:$0x3FDB];
	s0 =	simm.s32 @p2 $0x1  }
0x17: {  	s4 =	simm.s32 $0x1BF5;
	[smem:$0x3FA8] =	sst s0  }
0x18: {  	s0 =	sld [smem:$0x3F8B];
	_ =	swait.ge [sflag:s4], $0x0  }
0x19: {  	s7 =	sld [smem:$0x3F8C]  }
0x1a: {  	s8 =	sadd.s32 $0xFFFFE003, lr  }
0x1b: {  	s9 =	sadd.s32 $0xFFFFFEF7, lr;
	s5 =	simm.s32 $0xFFFFFFFF;
	p2 =	slt.u32 s8, $0xFFFFF086  }
0x1c: {  	p1 =	slt.u32 s9, $0xF7A;
	s5 =	simm.s32 @!p2 $0x0  }
0x1d: {  	s5 =	simm.s32 @p1 $0x1;
	p0 =	seq.s32 s7, s2  }
0x1e: {  	s7 =	smul.u32 @!p0 $0xF7A, s2;
	p2 =	seq.s32 @!p0 s5, $0x0  }
0x1f: {  	s9 =	smul.u32 $0xF7A, s1;
	s8 =	simm.s32 @!p0 $0x1BF5;
	p2 =	por !p2, p0  }
0x20: {  	[sflag:s8] =	ssyncset.s32 @!p0 $0xFFFFF086;
	s6 =	sadd.s32 @!p0 s3, s7;
	s7 =	simm.s32 @!p0 $0x108  }
0x21: {  	s3 =	sadd.s32 s3, s9;
	s6 =	sadd.s32 @!p0 $0x88, s6;
	s7 =	simm.s32 @p2 $0x1082  }
0x22: {  	[simem:s7], [sflag:s8] =	dma.local @!p0 [hbm:s6], $0xF7A  }
0x23: {  	s9 =	sor.u32 $0xD0000000, s2;
	s6 =	simm.s32 $0x108;
	_ =	swait.ge @!p0 [sflag:s8], $0x0  }
0x24: {  	s3 =	sadd.s32 $0x88, s3;
	s6 =	simm.s32 @!p1 $0x1082;
	[sflag:s4] =	ssyncset.s32 $0xFFFFF086  }
0x25: {  	[simem:s6], [sflag:s4] =	dma.local [hbm:s3], $0xF7A  }
0x26: {  	[smem:$0x3F8C] =	sst s1;
	(tag) =	ssettag s2;
	_ =	strace s9  }
0x27: {  	s1 =	sld [smem:$0x3F9C]  }
0x28: {  	s2 =	sld [smem:$0x3F9D]  }
0x29: {  	s4 =	sld [smem:$0x3F9F]  }
0x2a: {  	p0 =	seq.s32 s5, $0x0;
	s5 =	sld [smem:$0x3FA0]  }
0x2b: {  	s6 =	sld [smem:$0x3FA1]  }
0x2c: {  	s7 =	sld [smem:$0x3FA2]  }
0x2d: {  	s3 =	simm.s32 $0x108;
	s8 =	sld [smem:$0x3FA3]  }
0x2e: {  	s3 =	simm.s32 @!p0 $0x1082;
	s9 =	sld [smem:$0x3FA4]  }
0x2f: {  	lr =	sadd.s32 s0, s3;
	s0 =	sld [smem:$0x3F9B]  }
0x30: {  	s3 =	sld [smem:$0x3F9E]  }
0x31: {  	[smem:$0x3FA7] =	sst s10  }
0x32: {  	s10 =	sld [smem:$0x3FA5];
	_ =	sdelay $0x3  }
0x33: {  	p0 =	seq.s32 s10, $0x1;
	s10 =	sld [smem:$0x3FA7];
	_ =	sdelay $0x3  }
0x34: {  	[smem:$0x3FA7] =	sst s10  }
0x35: {  	s10 =	sld [smem:$0x3FA6];
	_ =	sdelay $0x3  }
0x36: {  	p1 =	seq.s32 s10, $0x1;
	s10 =	sld [smem:$0x3FA7];
	_ =	sdelay $0x3  }
0x37: {  	[smem:$0x3FA7] =	sst s10  }
0x38: {  	s10 =	sld [smem:$0x3FA8]  }
0x39: {  	_ = 	snop;
	(pc) =	sbr.ind lr, $3  }
0x3a: {  	_ = 	snop  }
0x3b: {  	_ = 	snop  }
0x3c: {  	p2 =	seq.s32 s10, $0x1;
	s10 =	sld [smem:$0x3FA7]  }
0x3d: {  	_ =	shalt  }
0x3e: {  	_ =	shalt  }
0x3f: {  	_ =	shalt  }
0x40: {  	_ =	shalt  }
0x41: {  	_ =	shalt  }
0x42: {  	_ =	shalt  }
0x43: {  	_ =	shalt  }
0x44: {  	_ =	shalt  }
0x45: {  	_ =	shalt  }
0x46: {  	_ =	shalt  }
0x47: {  	_ =	shalt  }
0x48: {  	_ =	shalt  }
0x49: {  	_ =	shalt  }
0x4a: {  	_ =	shalt  }
0x4b: {  	_ =	shalt  }
0x4c: {  	_ =	shalt  }
0x4d: {  	_ =	shalt  }
0x4e: {  	_ =	shalt  }
0x4f: {  	_ =	shalt  }
0x50: {  	_ =	shalt  }
0x51: {  	_ =	shalt  }
0x52: {  	_ =	shalt  }
0x53: {  	_ =	shalt  }
0x54: {  	_ =	shalt  }
0x55: {  	_ =	shalt  }
0x56: {  	_ =	shalt  }
0x57: {  	_ =	shalt  }
0x58: {  	_ =	shalt  }
0x59: {  	_ =	shalt  }
0x5a: {  	_ =	shalt  }
0x5b: {  	_ =	shalt  }
0x5c: {  	_ =	shalt  }
0x5d: {  	_ =	shalt  }
0x5e: {  	_ =	shalt  }
0x5f: {  	_ =	shalt  }
0x60: {  	_ =	shalt  }
0x61: {  	_ =	shalt  }
0x62: {  	_ =	shalt  }
0x63: {  	_ =	shalt  }
0x64: {  	_ =	shalt  }
0x65: {  	_ =	shalt  }
0x66: {  	_ =	shalt  }
0x67: {  	_ =	shalt  }
0x68: {  	_ =	shalt  }
0x69: {  	_ =	shalt  }
0x6a: {  	_ =	shalt  }
0x6b: {  	_ =	shalt  }
0x6c: {  	_ =	shalt  }
0x6d: {  	_ =	shalt  }
0x6e: {  	_ =	shalt  }
0x6f: {  	_ =	shalt  }
0x70: {  	_ =	shalt  }
0x71: {  	_ =	shalt  }
0x72: {  	_ =	shalt  }
0x73: {  	_ =	shalt  }
0x74: {  	_ =	shalt  }
0x75: {  	_ =	shalt  }
0x76: {  	_ =	shalt  }
0x77: {  	_ =	shalt  }
0x78: {  	_ =	shalt  }
0x79: {  	_ =	shalt  }
0x7a: {  	_ =	shalt  }
0x7b: {  	_ =	shalt  }
0x7c: {  	_ =	shalt  }
0x7d: {  	_ =	shalt  }
0x7e: {  	_ =	shalt  }
0x7f: {  	_ =	shalt  }
0x80: {  	_ =	shalt  }
0x81: {  	_ =	shalt  }
0x82: {  	_ =	shalt  }
0x83: {  	_ =	shalt  }
0x84: {  	_ =	shalt  }
0x85: {  	_ =	shalt  }
0x86: {  	_ =	shalt  }
0x87: {  	_ =	shalt  }
.Lfunc_end0:
.L_simem_size_0:
called_computation.2_lowered:
.L_overlay_start_0:
0x88: {  	s2 =	sld [smem:$0x3FD9]  }
0x89: {  	s3 =	sld [smem:$0x3FFE];
	_ =	sdelay $0x1  }
0x8a: {  	s1 =	srdreg.scid  }
0x8b: {  	s0 =	sand.u32 $0x1, s1  }
0x8c: {  	s17 =	sshll.u32 s0, $0xA;
	s2 =	sadd.s32 s3, s2  }
0x8d: {  	s2 =	sadd.s32 s2, s17  }
0x8e: {  	[smem:$0x3FB3] =	sst s2  }
0x8f: {  	_ = 	snop  }
0x90: {  	s18 =	sld [smem:$0x3FD0];
	(tm) =	ssettm $0x1  }
0x91: {  	s19 =	sld [smem:$0x3FFB];
	_ =	sdelay $0x3  }
0x92: {  	_ =	strace s19  }
0x93: {  	s2 =	sld [smem:$0x3FFC];
	_ =	sdelay $0x3  }
0x94: {  	_ =	strace s2  }
0x95: {  	s2 =	sld [smem:$0x3FFD];
	_ =	sdelay $0x3  }
0x96: {  	_ =	strace s2  }
0x97: {  	_ =	strace $0x8FFFFFFF  }
0x98: {  	s20 =	sld [smem:$0x3FDB];
	_ =	sdelay $0x1  }
0x99: {  	s4 =	simm.s32 $_scs_section_size  }
0x9a: {  	s5 =	simm.s32 $_size__tile_overlayer_lowered;
	s6 =	simm.s32 $_tile_overlayer_lowered  }
0x9b: {  	s7 =	simm.s32 $0x1BFF;
	s21 =	sshll.u32 s6, $0x1;
	s4 =	sadd.s32 s4, s20  }
0x9c: {  	s22 =	simm.s32 $0x0;
	s5 =	sshll.u32 s5, $0x1;
	s6 =	sadd.s32 s21, s4  }
0x9d: {  	[timem:s22], [sflag:s7] =	dma.local [hbm:s6], s5  }
0x9e: {  	_ =	swait.ge [sflag:s7], s5  }
0x9f: {  	s5 =	ssub.s32 $0x0, s5;
	[sflag:s7] =	ssyncset.done $0x0  }
0xa0: {  	[sflag:s7] =	ssyncadd.s32 s5;
	_ =	sdelay $0x1  }
0xa1: {  	s23 =	simm.s32 $0x1B8B  }
0xa2: {  	_ =	swait.ge [sflag:s23], $0x1  }
0xa3: {  	[sflag:s23] =	ssyncset.done $0x0  }
0xa4: {  	[sflag:s23] =	ssyncadd.s32 $0xFFFFFFFF  }
0xa5: {  	s5 =	sld [smem:$0x0]  }
0xa6: {  	s6 =	sand.u32 $0xFFFFFFFE, s1  }
0xa7: {  	p0 =	sne.s32 s1, s6  }
0xa8: {  	s6 =	sshll.u32 @p0 s6, $0xE  }
0xa9: {  	s6 =	sadd.s32 @p0 $0x11B8D, s6;
	s7 =	sshll.u32 @p0 s5, $0x11  }
0xaa: {  	s6 =	sor.u32 @p0 s7, s6  }
0xab: {  	[sflag:s6] =	ssyncadd.remote.s32 @p0 $0x1;
	_ =	sdelay $0x1  }
0xac: {  	s6 =	simm.s32 @p0 $0x1B8D  }
0xad: {  	_ =	swait.eq @p0 [sflag:s6], $0x1  }
0xae: {  	[sflag:s6] =	ssyncadd.s32 @p0 $0xFFFFFFFF  }
0xaf: {  	s7 =	sshll.u32 @!p0 s1, $0xE  }
0xb0: {  	s7 =	sor.u32 @!p0 $0x4000, s7;
	s6 =	simm.s32 @!p0 $0x1B8D  }
0xb1: {  	s5 =	sshll.u32 @!p0 s5, $0x11;
	s7 =	sadd.s32 @!p0 $0x11B8D, s7;
	_ =	swait.eq @!p0 [sflag:s6], $0x1  }
0xb2: {  	s5 =	sor.u32 @!p0 s5, s7;
	[sflag:s6] =	ssyncadd.s32 @!p0 $0xFFFFFFFF  }
0xb3: {  	s25 =	simm.s32 $0x1B8E;
	s24 =	sld [smem:$0x3FFE];
	[sflag:s5] =	ssyncadd.remote.s32 @!p0 $0x1  }
0xb4: {  	s26 =	simm.s32 $execute0_lowered;
	[smem:$0x3FD2] =	sst s25  }
0xb5: {  	s6 =	sshll.u32 s26, $0x1;
	_ =	strace $0x8000004F;
	[dreg:$0x1] =	wrdreg $0xFFFFFFFF  }
0xb6: {  	s28 =	simm.s32 $_size_execute0_lowered;
	s4 =	sadd.s32 s4, s6;
	[dreg:$0x0] =	wrdreg $0x0  }
0xb7: {  	s6 =	sshll.u32 s28, $0x1;
	[dreg:$0x2] =	wrdreg s4  }
0xb8: {  	[dreg:$0x3] =	wrdreg s6  }
0xb9: {  	[dreg:$0x4] =	wrdreg $0xC0  }
0xba: {  	_ =	task [dreg:s22], $0x5FFFF  }
0xbb: {  	[dreg:$0x1] =	wrdreg $0xFFFFFFFF  }
0xbc: {  	[dreg:$0x0] =	wrdreg $0x60  }
0xbd: {  	[dreg:$0x2] =	wrdreg s24  }
0xbe: {  	[dreg:$0x3] =	wrdreg s18  }
0xbf: {  	[dreg:$0x4] =	wrdreg $0x41000  }
0xc0: {  	[dreg:$0x5] =	wrdreg $0x9  }
0xc1: {  	_ =	task.clear_ibuf [dreg:s22], $0x6FFFF;
	_ =	strace $0x9000004F  }
0xc2: {  	s29 =	simm.s32 $0x9;
	_ =	strace $0x80000051  }
0xc3: {  	_ =	swait.ge [sflag:s29], $0x1  }
0xc4: {  	[sflag:s29] =	ssyncadd.s32 $0xFFFFFFFF  }
0xc5: {  	_ =	strace $0x90000051  }
0xc6: {  	_ =	sfence  }
0xc7: {  	s30 =	sld [smem:$0x0];
	_ =	sdelay $0x2  }
0xc8: {  	s31 =	sshll.u32 s1, $0xD;
	s1 =	sshrl.u32 s1, $0x2  }
0xc9: {  	s4 =	sand.u32 $0x4000, s31;
	s1 =	sadd.s32 s1, s30  }
0xca: {  	s0 =	sor.u32 s4, s0;
	s1 =	sshll.u32 s1, $0x11  }
0xcb: {  	s0 =	sor.u32 s1, s0  }
0xcc: {  	s0 =	sadd.s32 $0x8F2B, s0  }
0xcd: {  	[sflag:s0] =	ssyncadd.remote.s32 $0x1  }
0xce: {  	_ =	sfence.sel $0xFFFF  }
0xcf: {  	[dreg:$0x0] =	wrdreg $0xFFFFFFFF;
	(pc) =	sbr.abs _section_cstart, $3  }
0xd0: {  	[dreg:$0x1] =	wrdreg $0xFFFFFFFF  }
0xd1: {  	_ =	task.clear_ibuf [dreg:s22], $0x2FFFF;
	_ =	strace $0x9FFFFFFF  }
0xd2: {  	(tm) =	ssettm $0x7FFFFFFF  }
0xd3: {  	_ =	shalt  }
tec
execute0_lowered:
.L_overlay_start_1:
0x0: {  	(tag) =	ssettag $0x1  }
0x1: {  	s5 =	rddreg [dreg:$0x0]  }
0x2: {  	s8 =	rddreg [dreg:$0x1]  }
0x3: {  	s2 =	rddreg [dreg:$0x2]  }
0x4: {  	s0 =	rddreg [dreg:$0x3]  }
0x5: {  	s1 =	stileid.u32;
	s4 =	srdreg.scid  }
0x6: {  	s3 =	simm.s32 $0x0;
	s16 =	simm.s32 $0x0;
	s9 =	smul.u32 $0xA00, s1  }
0x7: {  	s6 =	smul.u32 $0x14000, s1;
	s7 =	sand.u32 $0x1, s4;
	[smem:$0x7FF] =	sst s3  }
0x8: {  	s4 =	sadd.s32 $0x6000, s5;
	s14 =	smul.u32 $0x50000, s1;
	s29 =	sshll.u32 s1, $0x6  }
0x9: {  	s10 =	smul.u32 $0x140000, s7;
	_ =	strace $0x80000050;
	s26 =	ssub.s32 $0x2, s7  }
0xa: {  	s30 =	smul.u32 $0x500, s7;
	s11 =	sadd.s32 s9, s5;
	s12 =	sshrl.u32 s6, $0x3  }
0xb: {  	s13 =	sshrl.u32 s26, $0x1;
	s28 =	sshrl.u32 s14, $0x2;
	s31 =	sadd.s32 s9, s8  }
0xc: {  	s6 =	sadd.s32 s6, s10;
	s12 =	sadd.s32 s12, s5;
	s10 =	ssub.s32 s26, s13  }
0xd: {  	s14 =	sadd.s32 s28, s2;
	s11 =	sadd.s32 s30, s11;
	s13 =	simm.s32 $0x80  }
0xe: {  	s6 =	sshrl.u32 s6, $0x3;
	s8 =	smax.u32 s10, $0x1;
	s9 =	sadd.s32 $0x56800, s11  }
0xf: {  	s10 =	sadd.s32 s30, s31;
	s11 =	sshrl.u32 s14, $0x3;
	s14 =	simm.s32 $0x100  }
0x10: {  	s15 =	sadd.s32 s6, s5;
	s5 =	sadd.s32 $0x2E800, s12;
	s6 =	sor.u32 $0x1C02, s29  }
0x11: {  	s12 =	simm.s32 $0x2;
	s7 =	sadd.s32 $0x60800, s15;
	s15 =	simm.s32 $0x1  }
.LBB2_1:
0x12: {  	[spmem:s11], [sflag:s6] =	dma.local [hbm:s5], $0x2800  }
0x13: {  	_ =	swait.ge [sflag:s12], $0x2800  }
0x14: {  	[sflag:s12] =	ssyncset.done $0x0  }
0x15: {  	[sflag:s12] =	ssyncadd.s32 $0xFFFFD800  }
0x16: {  	s17 =	sadd.s32 $0x0, s10;
	[bflag:$0x0] =	sbarrier.arrive $0xFFFF  }
0x17: {  	[tilespmem:s3], [sflag:$0x2] =	stream.linear.gather [hbm4b:s17+s3], $0x80, $0x38;
	[tilespmem:$0x18100] =	vst v63  }
0x18: {  	_ =	swait.ge [sflag:s12], $0x80  }
0x19: {  	[sflag:s12] =	ssyncset.done $0x0  }
0x1a: {  	s31 =	sadd.s32 $0x0, s9;
	[sflag:s12] =	ssyncadd.s32 $0xFFFFFF80  }
0x1b: {  	[tilespmem:s13], [sflag:$0x2] =	stream.linear.gather [hbm4b:s31+s3], $0x80, $0x38;
	[tilespmem:$0x18100] =	vst v63  }
0x1c: {  	_ =	swait.ge [sflag:s12], $0x80  }
0x1d: {  	[sflag:s12] =	ssyncset.done $0x0  }
0x1e: {  	[sflag:s12] =	ssyncadd.s32 $0xFFFFFF80  }
0x1f: {  	[tilespmem:s14], [sflag:$0x1] =	stream.indirect.gather [hbm4b:s4+s13], $0x80, s3, s13, $0xb8;
	[tilespmem:$0x18100] =	vst v63  }
0x20: {  	_ =	swait.ge [sflag:s15], $0x4000  }
0x21: {  	[sflag:s15] =	ssyncset.done $0x0  }
0x22: {  	[sflag:s15] =	ssyncadd.s32 $0xFFFFC000  }
0x23: {  	[spmem:s2] =	stream.indirect.scatter.add.f32 [tilespmem:s14], [sflag:$0x2], $0x80, s13, s13, $0xb8;
	[tilespmem:$0x18100] =	vst v63  }
0x24: {  	_ =	swait.ge [sflag:s12], $0x4000  }
0x25: {  	s18 =	simm.s32 $0x20;
	s17 =	simm.s32 $0x10;
	[sflag:s12] =	ssyncset.done $0x0  }
.LBB2_2:
0x26: {  	s19 =	sadd.s32 s17, s10  }
0x27: {  	[sflag:s12] =	ssyncadd.s32 $0xFFFFC000;
	s20 =	smov.u32 s18;
	s21 =	sadd.s32 $0x10, s18  }
0x28: {  	[tilespmem:s3], [sflag:$0x2] =	stream.linear.gather [hbm4b:s19+s3], $0x80, $0x38;
	[tilespmem:$0x18100] =	vst v63  }
0x29: {  	p0 =	sne.s32 s18, $0x4F0;
	_ =	swait.ge [sflag:s12], $0x80  }
0x2a: {  	[sflag:s12] =	ssyncset.done $0x0  }
0x2b: {  	s18 =	sadd.s32 s17, s9;
	s17 =	smov.u32 s20;
	[sflag:s12] =	ssyncadd.s32 $0xFFFFFF80  }
0x2c: {  	[tilespmem:s13], [sflag:$0x2] =	stream.linear.gather [hbm4b:s18+s3], $0x80, $0x38;
	[tilespmem:$0x18100] =	vst v63  }
0x2d: {  	_ =	swait.ge [sflag:s12], $0x80  }
0x2e: {  	[sflag:s12] =	ssyncset.done $0x0  }
0x2f: {  	[sflag:s12] =	ssyncadd.s32 $0xFFFFFF80  }
0x30: {  	[tilespmem:s14], [sflag:$0x1] =	stream.indirect.gather [hbm4b:s4+s13], $0x80, s3, s13, $0xb8;
	[tilespmem:$0x18100] =	vst v63  }
0x31: {  	_ =	swait.ge [sflag:s15], $0x4000  }
.Ltmp0:
0x32: {  	[sflag:s15] =	ssyncset.done $0x0;
	(pc) =	sbr.rel @p0 .LBB2_2-.Ltmp0, $4  }
0x33: {  	[sflag:s15] =	ssyncadd.s32 $0xFFFFC000  }
0x34: {  	[spmem:s2] =	stream.indirect.scatter.add.f32 [tilespmem:s14], [sflag:$0x2], $0x80, s13, s13, $0xb8;
	[tilespmem:$0x18100] =	vst v63  }
0x35: {  	_ =	swait.ge [sflag:s12], $0x4000  }
0x36: {  	s18 =	smov.u32 s21;
	[sflag:s12] =	ssyncset.done $0x0  }
0x37: {  	s18 =	sadd.s32 s17, s10;
	[sflag:s12] =	ssyncadd.s32 $0xFFFFC000  }
0x38: {  	[tilespmem:s3], [sflag:$0x2] =	stream.linear.gather [hbm4b:s18+s3], $0x80, $0x38;
	[tilespmem:$0x18100] =	vst v63  }
0x39: {  	_ =	swait.ge [sflag:s12], $0x80  }
0x3a: {  	[sflag:s12] =	ssyncset.done $0x0  }
0x3b: {  	s31 =	sadd.s32 s17, s9;
	[sflag:s12] =	ssyncadd.s32 $0xFFFFFF80  }
0x3c: {  	[tilespmem:s13], [sflag:$0x2] =	stream.linear.gather [hbm4b:s31+s3], $0x80, $0x38;
	[tilespmem:$0x18100] =	vst v63  }
0x3d: {  	_ =	swait.ge [sflag:s12], $0x80  }
0x3e: {  	[sflag:s12] =	ssyncset.done $0x0  }
0x3f: {  	[sflag:s12] =	ssyncadd.s32 $0xFFFFFF80  }
0x40: {  	[tilespmem:s14], [sflag:$0x1] =	stream.indirect.gather [hbm4b:s4+s13], $0x80, s3, s13, $0xb8;
	[tilespmem:$0x18100] =	vst v63  }
0x41: {  	_ =	swait.ge [sflag:s15], $0x4000  }
0x42: {  	[sflag:s15] =	ssyncset.done $0x0  }
0x43: {  	[sflag:s15] =	ssyncadd.s32 $0xFFFFC000  }
0x44: {  	[spmem:s2] =	stream.indirect.scatter.add.f32 [tilespmem:s14], [sflag:$0x2], $0x80, s13, s13, $0xb8;
	[tilespmem:$0x18100] =	vst v63  }
0x45: {  	_ =	swait.ge [sflag:s12], $0x4000  }
0x46: {  	s16 =	sadd.s32 $0x1, s16;
	[sflag:s12] =	ssyncset.done $0x0  }
0x47: {  	p0 =	sne.s32 s16, s8;
	[sflag:s12] =	ssyncadd.s32 $0xFFFFC000  }
.Ltmp1:
0x48: {  	[bflag:$0x0] =	sbarrier.arrive $0xFFFF;
	(pc) =	sbr.rel @p0 .LBB2_1-.Ltmp1, $4  }
0x49: {  	[hbm:s7], [sflag:s6] =	dma.local [spmem:s11], $0x2800  }
0x4a: {  	_ =	swait.ge [sflag:s12], $0x2800  }
0x4b: {  	[sflag:s12] =	ssyncset.done $0x0  }
0x4c: {  	[sflag:s12] =	ssyncadd.s32 $0xFFFFD800  }
0x4d: {  	_ =	sfence.sel $0x180000  }
0x4e: {  	[bflag:$0x0] =	sbarrier.arrive $0xFFFF  }
0x4f: {  	p0 =	sne.s32 s1, $0x0;
	_ =	strace $0x90000050  }
0x50: {  	s0 =	sadd.s32 @!p0 $0x100000, s0;
	[bflag:$0x2] =	sbarrier.arrive $0xFFFF  }
0x51: {  	[sflag:s0] =	ssyncadd.tile.s32 @!p0 $0x1;
	_ =	shalt  }
.Lfunc_end2:
_tile_overlayer_lowered:
.L_overlay_start_2:
0x52: {  	(tag) =	ssettag $0x2  }
0x53: {  	s0 =	rddreg [dreg:$0x0];
	s2 =	stileid.u32  }
0x54: {  	s1 =	rddreg [dreg:$0x1];
	p0 =	sne.s32 s2, $0x0  }
0x55: {  	s3 =	rddreg [dreg:$0x2];
	[bflag:$0x3] =	sbarrier.arrive $0xFFFF;
	s2 =	simm.s32 @!p0 $0x1C02  }
0x56: {  	[timem:s3], [sflag:s2] =	dma.local @!p0 [hbm:s0], s1  }
0x57: {  	s0 =	simm.s32 @!p0 $0x2  }
0x58: {  	_ =	swait.ge @!p0 [sflag:s0], s1  }
0x59: {  	s1 =	ssub.s32 @!p0 $0x0, s1;
	[sflag:s0] =	ssyncset.done @!p0 $0x0  }
0x5a: {  	[sflag:s0] =	ssyncadd.s32 @!p0 s1  }
0x5b: {  	[bflag:$0x3] =	sbarrier.arrive $0xFFFF  }
0x5c: {  	_ =	shalt  }

// kernel: kernel.21.cloned.1.call-start
scs
__scs_entry_jumppad:
0x0: {  	(pc) =	sbr.rel $0x88, $3  }
0x1: {  	(tag) =	ssettag $0x0;
	lr =	simm.s32 $0x1  }
0x2: {  	[smem:$0x3F8C] =	sst lr;
	_ =	strace $0xD0000000  }
0x3: {  	_ = 	snop  }
0x4: {  	_ = 	snop  }
0x5: {  	_ = 	snop  }
0x6: {  	_ = 	snop  }
0x7: {  	_ = 	snop  }
__scs_overlays_trampoline_lowered:
0x8: {  	[smem:$0x3F9B] =	sst s0  }
0x9: {  	[smem:$0x3F9C] =	sst s1  }
0xa: {  	[smem:$0x3F9D] =	sst s2  }
0xb: {  	[smem:$0x3F9E] =	sst s3  }
0xc: {  	[smem:$0x3F9F] =	sst s4  }
0xd: {  	[smem:$0x3FA0] =	sst s5  }
0xe: {  	[smem:$0x3FA1] =	sst s6  }
0xf: {  	[smem:$0x3FA2] =	sst s7  }
0x10: {  	[smem:$0x3FA3] =	sst s8  }
0x11: {  	[smem:$0x3FA4] =	sst s9;
	s0 =	simm.s32 @!p0 $0x0  }
0x12: {  	s1 =	sld [smem:$0x3F8A];
	s0 =	simm.s32 @p0 $0x1  }
0x13: {  	[smem:$0x3FA5] =	sst s0;
	s0 =	simm.s32 @!p1 $0x0  }
0x14: {  	s2 =	sld [smem:$0x3F89];
	s0 =	simm.s32 @p1 $0x1  }
0x15: {  	[smem:$0x3FA6] =	sst s0;
	s0 =	simm.s32 @!p2 $0x0  }
0x16: {  	s3 =	sld [smem:$0x3FDB];
	s0 =	simm.s32 @p2 $0x1  }
0x17: {  	s4 =	simm.s32 $0x1BF5;
	[smem:$0x3FA8] =	sst s0  }
0x18: {  	s0 =	sld [smem:$0x3F8B];
	_ =	swait.ge [sflag:s4], $0x0  }
0x19: {  	s7 =	sld [smem:$0x3F8C]  }
0x1a: {  	s8 =	sadd.s32 $0xFFFFE003, lr  }
0x1b: {  	s9 =	sadd.s32 $0xFFFFFEF7, lr;
	s5 =	simm.s32 $0xFFFFFFFF;
	p2 =	slt.u32 s8, $0xFFFFF086  }
0x1c: {  	p1 =	slt.u32 s9, $0xF7A;
	s5 =	simm.s32 @!p2 $0x0  }
0x1d: {  	s5 =	simm.s32 @p1 $0x1;
	p0 =	seq.s32 s7, s2  }
0x1e: {  	s7 =	smul.u32 @!p0 $0xF7A, s2;
	p2 =	seq.s32 @!p0 s5, $0x0  }
0x1f: {  	s9 =	smul.u32 $0xF7A, s1;
	s8 =	simm.s32 @!p0 $0x1BF5;
	p2 =	por !p2, p0  }
0x20: {  	[sflag:s8] =	ssyncset.s32 @!p0 $0xFFFFF086;
	s6 =	sadd.s32 @!p0 s3, s7;
	s7 =	simm.s32 @!p0 $0x108  }
0x21: {  	s3 =	sadd.s32 s3, s9;
	s6 =	sadd.s32 @!p0 $0x88, s6;
	s7 =	simm.s32 @p2 $0x1082  }
0x22: {  	[simem:s7], [sflag:s8] =	dma.local @!p0 [hbm:s6], $0xF7A  }
0x23: {  	s9 =	sor.u32 $0xD0000000, s2;
	s6 =	simm.s32 $0x108;
	_ =	swait.ge @!p0 [sflag:s8], $0x0  }
0x24: {  	s3 =	sadd.s32 $0x88, s3;
	s6 =	simm.s32 @!p1 $0x1082;
	[sflag:s4] =	ssyncset.s32 $0xFFFFF086  }
0x25: {  	[simem:s6], [sflag:s4] =	dma.local [hbm:s3], $0xF7A  }
0x26: {  	[smem:$0x3F8C] =	sst s1;
	(tag) =	ssettag s2;
	_ =	strace s9  }
0x27: {  	s1 =	sld [smem:$0x3F9C]  }
0x28: {  	s2 =	sld [smem:$0x3F9D]  }
0x29: {  	s4 =	sld [smem:$0x3F9F]  }
0x2a: {  	p0 =	seq.s32 s5, $0x0;
	s5 =	sld [smem:$0x3FA0]  }
0x2b: {  	s6 =	sld [smem:$0x3FA1]  }
0x2c: {  	s7 =	sld [smem:$0x3FA2]  }
0x2d: {  	s3 =	simm.s32 $0x108;
	s8 =	sld [smem:$0x3FA3]  }
0x2e: {  	s3 =	simm.s32 @!p0 $0x1082;
	s9 =	sld [smem:$0x3FA4]  }
0x2f: {  	lr =	sadd.s32 s0, s3;
	s0 =	sld [smem:$0x3F9B]  }
0x30: {  	s3 =	sld [smem:$0x3F9E]  }
0x31: {  	[smem:$0x3FA7] =	sst s10  }
0x32: {  	s10 =	sld [smem:$0x3FA5];
	_ =	sdelay $0x3  }
0x33: {  	p0 =	seq.s32 s10, $0x1;
	s10 =	sld [smem:$0x3FA7];
	_ =	sdelay $0x3  }
0x34: {  	[smem:$0x3FA7] =	sst s10  }
0x35: {  	s10 =	sld [smem:$0x3FA6];
	_ =	sdelay $0x3  }
0x36: {  	p1 =	seq.s32 s10, $0x1;
	s10 =	sld [smem:$0x3FA7];
	_ =	sdelay $0x3  }
0x37: {  	[smem:$0x3FA7] =	sst s10  }
0x38: {  	s10 =	sld [smem:$0x3FA8]  }
0x39: {  	_ = 	snop;
	(pc) =	sbr.ind lr, $3  }
0x3a: {  	_ = 	snop  }
0x3b: {  	_ = 	snop  }
0x3c: {  	p2 =	seq.s32 s10, $0x1;
	s10 =	sld [smem:$0x3FA7]  }
0x3d: {  	_ =	shalt  }
0x3e: {  	_ =	shalt  }
0x3f: {  	_ =	shalt  }
0x40: {  	_ =	shalt  }
0x41: {  	_ =	shalt  }
0x42: {  	_ =	shalt  }
0x43: {  	_ =	shalt  }
0x44: {  	_ =	shalt  }
0x45: {  	_ =	shalt  }
0x46: {  	_ =	shalt  }
0x47: {  	_ =	shalt  }
0x48: {  	_ =	shalt  }
0x49: {  	_ =	shalt  }
0x4a: {  	_ =	shalt  }
0x4b: {  	_ =	shalt  }
0x4c: {  	_ =	shalt  }
0x4d: {  	_ =	shalt  }
0x4e: {  	_ =	shalt  }
0x4f: {  	_ =	shalt  }
0x50: {  	_ =	shalt  }
0x51: {  	_ =	shalt  }
0x52: {  	_ =	shalt  }
0x53: {  	_ =	shalt  }
0x54: {  	_ =	shalt  }
0x55: {  	_ =	shalt  }
0x56: {  	_ =	shalt  }
0x57: {  	_ =	shalt  }
0x58: {  	_ =	shalt  }
0x59: {  	_ =	shalt  }
0x5a: {  	_ =	shalt  }
0x5b: {  	_ =	shalt  }
0x5c: {  	_ =	shalt  }
0x5d: {  	_ =	shalt  }
0x5e: {  	_ =	shalt  }
0x5f: {  	_ =	shalt  }
0x60: {  	_ =	shalt  }
0x61: {  	_ =	shalt  }
0x62: {  	_ =	shalt  }
0x63: {  	_ =	shalt  }
0x64: {  	_ =	shalt  }
0x65: {  	_ =	shalt  }
0x66: {  	_ =	shalt  }
0x67: {  	_ =	shalt  }
0x68: {  	_ =	shalt  }
0x69: {  	_ =	shalt  }
0x6a: {  	_ =	shalt  }
0x6b: {  	_ =	shalt  }
0x6c: {  	_ =	shalt  }
0x6d: {  	_ =	shalt  }
0x6e: {  	_ =	shalt  }
0x6f: {  	_ =	shalt  }
0x70: {  	_ =	shalt  }
0x71: {  	_ =	shalt  }
0x72: {  	_ =	shalt  }
0x73: {  	_ =	shalt  }
0x74: {  	_ =	shalt  }
0x75: {  	_ =	shalt  }
0x76: {  	_ =	shalt  }
0x77: {  	_ =	shalt  }
0x78: {  	_ =	shalt  }
0x79: {  	_ =	shalt  }
0x7a: {  	_ =	shalt  }
0x7b: {  	_ =	shalt  }
0x7c: {  	_ =	shalt  }
0x7d: {  	_ =	shalt  }
0x7e: {  	_ =	shalt  }
0x7f: {  	_ =	shalt  }
0x80: {  	_ =	shalt  }
0x81: {  	_ =	shalt  }
0x82: {  	_ =	shalt  }
0x83: {  	_ =	shalt  }
0x84: {  	_ =	shalt  }
0x85: {  	_ =	shalt  }
0x86: {  	_ =	shalt  }
0x87: {  	_ =	shalt  }
.Lfunc_end0:
.L_simem_size_0:
called_computation.3_lowered:
.L_overlay_start_0:
0x88: {  	s2 =	sld [smem:$0x3FD9]  }
0x89: {  	s3 =	sld [smem:$0x3FFE];
	_ =	sdelay $0x1  }
0x8a: {  	s1 =	srdreg.scid  }
0x8b: {  	s0 =	sand.u32 $0x1, s1  }
0x8c: {  	s16 =	sshll.u32 s0, $0xA;
	s2 =	sadd.s32 s3, s2  }
0x8d: {  	s2 =	sadd.s32 s2, s16  }
0x8e: {  	[smem:$0x3FB3] =	sst s2  }
0x8f: {  	_ = 	snop  }
0x90: {  	(tm) =	ssettm $0x1  }
0x91: {  	s17 =	sld [smem:$0x3FFB];
	_ =	sdelay $0x3  }
0x92: {  	_ =	strace s17  }
0x93: {  	s2 =	sld [smem:$0x3FFC];
	_ =	sdelay $0x3  }
0x94: {  	_ =	strace s2  }
0x95: {  	s2 =	sld [smem:$0x3FFD];
	_ =	sdelay $0x3  }
0x96: {  	_ =	strace s2  }
0x97: {  	_ =	strace $0x8FFFFFFF  }
0x98: {  	s18 =	sld [smem:$0x3FDB];
	_ =	sdelay $0x1  }
0x99: {  	s19 =	simm.s32 $_scs_section_size  }
0x9a: {  	s4 =	simm.s32 $_size__tile_overlayer_lowered;
	s5 =	simm.s32 $_tile_overlayer_lowered  }
0x9b: {  	s22 =	simm.s32 $0x1BFF;
	s21 =	sshll.u32 s5, $0x1;
	s2 =	sadd.s32 s19, s18  }
0x9c: {  	s6 =	simm.s32 $0x0;
	s20 =	sshll.u32 s4, $0x1;
	s4 =	sadd.s32 s21, s2  }
0x9d: {  	[timem:s6], [sflag:s22] =	dma.local [hbm:s4], s20  }
0x9e: {  	_ =	swait.ge [sflag:s22], s20  }
0x9f: {  	s3 =	ssub.s32 $0x0, s20;
	[sflag:s22] =	ssyncset.done $0x0  }
0xa0: {  	[sflag:s22] =	ssyncadd.s32 s3;
	_ =	sdelay $0x1  }
0xa1: {  	s23 =	simm.s32 $0x1B8B  }
0xa2: {  	_ =	swait.ge [sflag:s23], $0x1  }
0xa3: {  	[sflag:s23] =	ssyncset.done $0x0  }
0xa4: {  	s25 =	simm.s32 $0x1B8E;
	s24 =	sld [smem:$0x3FFE];
	[sflag:s23] =	ssyncadd.s32 $0xFFFFFFFF  }
0xa5: {  	s26 =	simm.s32 $execute0_lowered;
	[smem:$0x3FD2] =	sst s25  }
0xa6: {  	s4 =	sshll.u32 s26, $0x1;
	_ =	strace $0x8000004C;
	[dreg:$0x1] =	wrdreg $0xFFFFFFFF  }
0xa7: {  	s28 =	simm.s32 $_size_execute0_lowered;
	s2 =	sadd.s32 s2, s4;
	[dreg:$0x0] =	wrdreg $0x0  }
0xa8: {  	s4 =	sshll.u32 s28, $0x1;
	[dreg:$0x2] =	wrdreg s2  }
0xa9: {  	[dreg:$0x3] =	wrdreg s4  }
0xaa: {  	[dreg:$0x4] =	wrdreg $0xC0  }
0xab: {  	_ =	task [dreg:s6], $0x5FFFF  }
0xac: {  	[dreg:$0x1] =	wrdreg $0xFFFFFFFF  }
0xad: {  	[dreg:$0x0] =	wrdreg $0x60  }
0xae: {  	[dreg:$0x2] =	wrdreg s24  }
0xaf: {  	[dreg:$0x3] =	wrdreg $0x40800  }
0xb0: {  	[dreg:$0x4] =	wrdreg $0xA  }
0xb1: {  	_ =	task.clear_ibuf [dreg:s6], $0x5FFFF;
	_ =	strace $0x9000004C  }
0xb2: {  	s29 =	simm.s32 $0xA;
	_ =	strace $0x8000004E  }
0xb3: {  	_ =	swait.ge [sflag:s29], $0x1  }
0xb4: {  	[sflag:s29] =	ssyncadd.s32 $0xFFFFFFFF  }
0xb5: {  	_ =	strace $0x9000004E  }
0xb6: {  	_ =	sfence  }
0xb7: {  	s30 =	sld [smem:$0x0];
	_ =	sdelay $0x2  }
0xb8: {  	s31 =	sshll.u32 s1, $0xD;
	s1 =	sshrl.u32 s1, $0x2  }
0xb9: {  	s3 =	sand.u32 $0x4000, s31;
	s1 =	sadd.s32 s1, s30  }
0xba: {  	s0 =	sor.u32 s3, s0;
	s1 =	sshll.u32 s1, $0x11  }
0xbb: {  	s0 =	sor.u32 s1, s0  }
0xbc: {  	s0 =	sadd.s32 $0x8F2B, s0  }
0xbd: {  	[sflag:s0] =	ssyncadd.remote.s32 $0x1  }
0xbe: {  	_ =	sfence.sel $0xFFFF  }
0xbf: {  	[dreg:$0x0] =	wrdreg $0xFFFFFFFF;
	(pc) =	sbr.abs _section_cstart, $3  }
0xc0: {  	[dreg:$0x1] =	wrdreg $0xFFFFFFFF  }
0xc1: {  	_ =	task.clear_ibuf [dreg:s6], $0x2FFFF;
	_ =	strace $0x9FFFFFFF  }
0xc2: {  	(tm) =	ssettm $0x7FFFFFFF  }
0xc3: {  	_ =	shalt  }
tec
execute0_lowered:
.L_overlay_start_1:
0x0: {  	(tag) =	ssettag $0x1  }
0x1: {  	s0 =	stileid.u32  }
0x2: {  	s1 =	srdreg.scid;
	s4 =	smul.u32 $0x50000, s0  }
0x3: {  	s5 =	rddreg [dreg:$0x0];
	s7 =	smul.u32 $0x5000, s0  }
0x4: {  	s2 =	rddreg [dreg:$0x1];
	s6 =	sand.u32 $0x1, s1;
	s9 =	smul.u32 $0x14000, s0  }
0x5: {  	s3 =	simm.s32 $0x0;
	s1 =	rddreg [dreg:$0x2];
	s8 =	smul.u32 $0x2800, s6  }
0x6: {  	[smem:$0x7FF] =	sst s3;
	s29 =	sshll.u32 s0, $0x6;
	s25 =	smul.u32 $0x140000, s6  }
0x7: {  	_ =	strace $0x8000004D;
	s28 =	ssub.s32 $0x2, s6;
	s30 =	smul.u32 $0x28000, s6  }
0x8: {  	s10 =	sadd.s32 s4, s5;
	s12 =	sshrl.u32 s28, $0x1;
	s4 =	sshrl.u32 s4, $0x2  }
0x9: {  	s7 =	sadd.s32 s8, s7;
	s26 =	sadd.s32 s9, s25;
	s9 =	sshrl.u32 s9, $0x3  }
0xa: {  	s8 =	ssub.s32 s28, s12;
	s13 =	sadd.s32 s4, s2;
	s31 =	sadd.s32 s30, s10  }
0xb: {  	s12 =	simm.s32 $0x80;
	s7 =	sshrl.u32 s7, $0x3;
	s9 =	sadd.s32 s9, s5  }
0xc: {  	s10 =	sshrl.u32 s13, $0x3;
	s11 =	sadd.s32 s7, s5;
	s7 =	sshrl.u32 s26, $0x3  }
0xd: {  	s13 =	simm.s32 $0x0;
	s4 =	sadd.s32 $0x2E800, s9;
	s7 =	sadd.s32 s7, s5  }
0xe: {  	s5 =	sor.u32 $0x1C01, s29;
	s9 =	sadd.s32 $0x56800, s11;
	s11 =	simm.s32 $0x1  }
0xf: {  	s6 =	sadd.s32 $0x129000, s7;
	s7 =	smax.u32 s8, $0x1;
	s8 =	sadd.s32 $0xB79000, s31  }
.LBB2_1:
0x10: {  	[spmem:s10], [sflag:s5] =	dma.local [hbm:s4], $0x2800  }
0x11: {  	_ =	swait.ge [sflag:s11], $0x2800  }
0x12: {  	[sflag:s11] =	ssyncset.done $0x0  }
0x13: {  	[sflag:s11] =	ssyncadd.s32 $0xFFFFD800  }
0x14: {  	s14 =	sadd.s32 $0x0, s9;
	[bflag:$0x0] =	sbarrier.arrive $0xFFFF  }
0x15: {  	[tilespmem:s3], [sflag:$0x1] =	stream.linear.gather [hbm4b:s14+s3], $0x80, $0x38;
	[tilespmem:$0x18080] =	vst v63  }
0x16: {  	_ =	swait.ge [sflag:s11], $0x80  }
0x17: {  	[sflag:s11] =	ssyncset.done $0x0  }
0x18: {  	[sflag:s11] =	ssyncadd.s32 $0xFFFFFF80  }
0x19: {  	[tilespmem:s12], [sflag:$0x1] =	stream.linear.gather [hbm4b:s8+s3], $0x4000, $0x38;
	[tilespmem:$0x18080] =	vst v63  }
0x1a: {  	_ =	swait.ge [sflag:s11], $0x4000  }
0x1b: {  	[sflag:s11] =	ssyncset.done $0x0  }
0x1c: {  	[sflag:s11] =	ssyncadd.s32 $0xFFFFC000  }
0x1d: {  	[spmem:s2] =	stream.indirect.scatter.add.f32 [tilespmem:s12], [sflag:$0x1], $0x80, s3, s12, $0xb8;
	[tilespmem:$0x18080] =	vst v63  }
0x1e: {  	s15 =	simm.s32 $0x10;
	_ =	swait.ge [sflag:s11], $0x4000  }
0x1f: {  	s16 =	simm.s32 $0x20;
	s14 =	sadd.s32 $0x800, s8;
	[sflag:s11] =	ssyncset.done $0x0  }
.LBB2_2:
0x20: {  	s17 =	sadd.s32 s15, s9  }
0x21: {  	[sflag:s11] =	ssyncadd.s32 $0xFFFFC000;
	s15 =	smov.u32 s16;
	s18 =	sadd.s32 $0x10, s16  }
0x22: {  	[tilespmem:s3], [sflag:$0x1] =	stream.linear.gather [hbm4b:s17+s3], $0x80, $0x38;
	[tilespmem:$0x18080] =	vst v63  }
0x23: {  	p0 =	sne.s32 s16, $0x4F0;
	_ =	swait.ge [sflag:s11], $0x80  }
0x24: {  	[sflag:s11] =	ssyncset.done $0x0  }
0x25: {  	[sflag:s11] =	ssyncadd.s32 $0xFFFFFF80  }
0x26: {  	[tilespmem:s12], [sflag:$0x1] =	stream.linear.gather [hbm4b:s14+s3], $0x4000, $0x38;
	[tilespmem:$0x18080] =	vst v63  }
0x27: {  	_ =	swait.ge [sflag:s11], $0x4000  }
.Ltmp0:
0x28: {  	[sflag:s11] =	ssyncset.done $0x0;
	(pc) =	sbr.rel @p0 .LBB2_2-.Ltmp0, $4  }
0x29: {  	[sflag:s11] =	ssyncadd.s32 $0xFFFFC000  }
0x2a: {  	[spmem:s2] =	stream.indirect.scatter.add.f32 [tilespmem:s12], [sflag:$0x1], $0x80, s3, s12, $0xb8;
	[tilespmem:$0x18080] =	vst v63  }
0x2b: {  	_ =	swait.ge [sflag:s11], $0x4000  }
0x2c: {  	s16 =	smov.u32 s18;
	s14 =	sadd.s32 $0x800, s14;
	[sflag:s11] =	ssyncset.done $0x0  }
0x2d: {  	s15 =	sadd.s32 s15, s9;
	[sflag:s11] =	ssyncadd.s32 $0xFFFFC000  }
0x2e: {  	[tilespmem:s3], [sflag:$0x1] =	stream.linear.gather [hbm4b:s15+s3], $0x80, $0x38;
	[tilespmem:$0x18080] =	vst v63  }
0x2f: {  	_ =	swait.ge [sflag:s11], $0x80  }
0x30: {  	[sflag:s11] =	ssyncset.done $0x0  }
0x31: {  	[sflag:s11] =	ssyncadd.s32 $0xFFFFFF80  }
0x32: {  	[tilespmem:s12], [sflag:$0x1] =	stream.linear.gather [hbm4b:s14+s3], $0x4000, $0x38;
	[tilespmem:$0x18080] =	vst v63  }
0x33: {  	_ =	swait.ge [sflag:s11], $0x4000  }
0x34: {  	[sflag:s11] =	ssyncset.done $0x0  }
0x35: {  	[sflag:s11] =	ssyncadd.s32 $0xFFFFC000  }
0x36: {  	[spmem:s2] =	stream.indirect.scatter.add.f32 [tilespmem:s12], [sflag:$0x1], $0x80, s3, s12, $0xb8;
	[tilespmem:$0x18080] =	vst v63  }
0x37: {  	_ =	swait.ge [sflag:s11], $0x4000  }
0x38: {  	s13 =	sadd.s32 $0x1, s13;
	[sflag:s11] =	ssyncset.done $0x0  }
0x39: {  	p0 =	sne.s32 s13, s7;
	[sflag:s11] =	ssyncadd.s32 $0xFFFFC000  }
.Ltmp1:
0x3a: {  	[bflag:$0x0] =	sbarrier.arrive $0xFFFF;
	(pc) =	sbr.rel @p0 .LBB2_1-.Ltmp1, $4  }
0x3b: {  	[hbm:s6], [sflag:s5] =	dma.local [spmem:s10], $0x2800  }
0x3c: {  	_ =	swait.ge [sflag:s11], $0x2800  }
0x3d: {  	[sflag:s11] =	ssyncset.done $0x0  }
0x3e: {  	[sflag:s11] =	ssyncadd.s32 $0xFFFFD800  }
0x3f: {  	_ =	sfence.sel $0x180000  }
0x40: {  	[bflag:$0x0] =	sbarrier.arrive $0xFFFF  }
0x41: {  	p0 =	sne.s32 s0, $0x0;
	_ =	strace $0x9000004D  }
0x42: {  	s0 =	sadd.s32 @!p0 $0x100000, s1;
	[bflag:$0x2] =	sbarrier.arrive $0xFFFF  }
0x43: {  	[sflag:s0] =	ssyncadd.tile.s32 @!p0 $0x1;
	_ =	shalt  }
.Lfunc_end2:
_tile_overlayer_lowered:
.L_overlay_start_2:
0x44: {  	(tag) =	ssettag $0x2  }
0x45: {  	s0 =	rddreg [dreg:$0x0];
	s2 =	stileid.u32  }
0x46: {  	s1 =	rddreg [dreg:$0x1];
	p0 =	sne.s32 s2, $0x0  }
0x47: {  	s3 =	rddreg [dreg:$0x2];
	[bflag:$0x3] =	sbarrier.arrive $0xFFFF;
	s2 =	simm.s32 @!p0 $0x1C01  }
0x48: {  	[timem:s3], [sflag:s2] =	dma.local @!p0 [hbm:s0], s1  }
0x49: {  	s0 =	simm.s32 @!p0 $0x1  }
0x4a: {  	_ =	swait.ge @!p0 [sflag:s0], s1  }
0x4b: {  	s1 =	ssub.s32 @!p0 $0x0, s1;
	[sflag:s0] =	ssyncset.done @!p0 $0x0  }
0x4c: {  	[sflag:s0] =	ssyncadd.s32 @!p0 s1  }
0x4d: {  	[bflag:$0x3] =	sbarrier.arrive $0xFFFF  }
0x4e: {  	_ =	shalt  }

</sc_bundles>
